<compile_context>
chip_gen: v7x
topology: tpu7x:2x2x1
jax: 0.10.2.dev20260603
libtpu: 0.0.44.dev20260713+nightly
codegen_flags: <defaults>
</compile_context>

<pallas_src>
import functools

import jax
import jax.numpy as jnp
from jax import lax
from jax.experimental import pallas as pl
from jax.experimental.pallas import tpu as pltpu
from jax.experimental.pallas import tpu_sc as plsc

S, B, E = 8192, 4, 1024
L = 16
NC, NS = 2, 16
NW = NC * NS
RW = S // NW
CH = 2
NCHUNK = RW // CH
NSLOT = 8
D = 4


@functools.partial(
    pl.kernel,
    out_type=jax.ShapeDtypeStruct((S, B, E), jnp.float32),
    mesh=plsc.VectorSubcoreMesh(core_axis_name="c", subcore_axis_name="s"),
    scratch_types=(
        [pltpu.VMEM((CH, B, E), jnp.float32) for _ in range(NSLOT)]
        + [pltpu.VMEM((CH, E), jnp.float32) for _ in range(NSLOT)]
        + [pltpu.SemaphoreType.DMA for _ in range(3 * NSLOT)]
    ),
)
def _sc_add(in_hbm, tab_hbm, out_hbm, *refs):
    in_bufs = refs[0:NSLOT]
    tab_bufs = refs[NSLOT:2 * NSLOT]
    in_sems = refs[2 * NSLOT:3 * NSLOT]
    tab_sems = refs[3 * NSLOT:4 * NSLOT]
    out_sems = refs[4 * NSLOT:5 * NSLOT]

    wid = lax.axis_index("s") * NC + lax.axis_index("c")
    base0 = wid * RW

    def start_in(c, p):
        row = base0 + c * CH
        pltpu.make_async_copy(in_hbm.at[pl.ds(row, CH)], in_bufs[p], in_sems[p]).start()
        pltpu.make_async_copy(tab_hbm.at[pl.ds(row, CH)], tab_bufs[p], tab_sems[p]).start()

    for p in range(D):
        start_in(p, p)

    def outer(c0, carry):
        for k in range(NSLOT):
            c = c0 * NSLOT + k

            if k < D:
                @pl.when(c0 > 0)
                def _wait_out(k=k):
                    pq = (k - D) % NSLOT
                    pltpu.make_async_copy(in_bufs[pq], out_hbm.at[pl.ds(0, CH)], out_sems[pq]).wait()
            else:
                pq = (k - D) % NSLOT
                pltpu.make_async_copy(in_bufs[pq], out_hbm.at[pl.ds(0, CH)], out_sems[pq]).wait()

            @pl.when(c + D < NCHUNK)
            def _start_next_in(c=c, k=k):
                start_in(c + D, (k + D) % NSLOT)

            pltpu.make_async_copy(in_hbm.at[pl.ds(0, CH)], in_bufs[k], in_sems[k]).wait()
            pltpu.make_async_copy(tab_hbm.at[pl.ds(0, CH)], tab_bufs[k], tab_sems[k]).wait()

            @plsc.parallel_loop(0, CH * (E // L), unroll=4)
            def _slab(t, k=k):
                r = t // (E // L)
                j = (t % (E // L)) * L
                tab = tab_bufs[k][r, pl.ds(j, L)]
                for b in range(B):
                    plsc.addupdate(in_bufs[k].at[r, b, pl.ds(j, L)], tab)

            row = base0 + c * CH
            pltpu.make_async_copy(in_bufs[k], out_hbm.at[pl.ds(row, CH)], out_sems[k]).start()

        return carry

    lax.fori_loop(0, NCHUNK // NSLOT, outer, 0)

    for c in range(NCHUNK - D, NCHUNK):
        pq = c % NSLOT
        pltpu.make_async_copy(in_bufs[pq], out_hbm.at[pl.ds(0, CH)], out_sems[pq]).wait()


def kernel(input, pos_table):
    return _sc_add(input, pos_table)

# --- scband reference (transcript-rebuilt; emitter-appended) ---
"""Pipeline reference for scband-position-embedding-35880156791160 (READ-ONLY COPY).

The authoritative reference and input builder live on the scoring server;
editing this copy changes nothing except your own understanding.
"""

import jax, jax.numpy as jnp
import numpy as np

S, B, E = 8192, 4, 1024
MAX_LEN = 8192

def setup_inputs(seed: int = 0) -> dict:
    key = jax.random.key(seed)
    k1, k2 = jax.random.split(key)
    inp = jax.random.normal(k1, (S, B, E), dtype=jnp.float32)
    # nn.Embedding weight init: N(0,1)
    pos_table = jax.random.normal(k2, (MAX_LEN, E), dtype=jnp.float32)
    return {"input": inp, "pos_table": pos_table}

def reference(input, pos_table):
    # position_idx = arange(S).unsqueeze(1) -> [S, 1]
    position_idx = jnp.arange(input.shape[0])[:, None]
    # embedding lookup -> [S, 1, E]
    position_embeddings = jnp.take(pos_table, position_idx, axis=0)
    # dropout p=0.0 -> identity
    return input + position_embeddings

if __name__ == "__main__":
    import jax
    _d = setup_inputs()
    print(jax.jit(kernel)(*tuple(_d.values())))

</pallas_src>

<mosaic_0001>
#map = affine_map<(d0, d1) -> (0, 0, 0)>
#map1 = affine_map<(d0, d1) -> (0, 0)>
module attributes {stable_mosaic.version = 14 : i64} {
  func.func @_sc_add(%arg0: i32, %arg1: i32, %arg2: memref<8192x4x1024xf32, #tpu.memory_space<hbm>>, %arg3: memref<8192x1024xf32, #tpu.memory_space<hbm>>, %arg4: memref<8192x4x1024xf32, #tpu.memory_space<hbm>>, %arg5: memref<2x4x1024xf32, #tpu.memory_space<vmem>>, %arg6: memref<2x4x1024xf32, #tpu.memory_space<vmem>>, %arg7: memref<2x4x1024xf32, #tpu.memory_space<vmem>>, %arg8: memref<2x4x1024xf32, #tpu.memory_space<vmem>>, %arg9: memref<2x4x1024xf32, #tpu.memory_space<vmem>>, %arg10: memref<2x4x1024xf32, #tpu.memory_space<vmem>>, %arg11: memref<2x4x1024xf32, #tpu.memory_space<vmem>>, %arg12: memref<2x4x1024xf32, #tpu.memory_space<vmem>>, %arg13: memref<2x1024xf32, #tpu.memory_space<vmem>>, %arg14: memref<2x1024xf32, #tpu.memory_space<vmem>>, %arg15: memref<2x1024xf32, #tpu.memory_space<vmem>>, %arg16: memref<2x1024xf32, #tpu.memory_space<vmem>>, %arg17: memref<2x1024xf32, #tpu.memory_space<vmem>>, %arg18: memref<2x1024xf32, #tpu.memory_space<vmem>>, %arg19: memref<2x1024xf32, #tpu.memory_space<vmem>>, %arg20: memref<2x1024xf32, #tpu.memory_space<vmem>>, %arg21: memref<!tpu.dma_semaphore, #tpu.memory_space<semaphore_mem>>, %arg22: memref<!tpu.dma_semaphore, #tpu.memory_space<semaphore_mem>>, %arg23: memref<!tpu.dma_semaphore, #tpu.memory_space<semaphore_mem>>, %arg24: memref<!tpu.dma_semaphore, #tpu.memory_space<semaphore_mem>>, %arg25: memref<!tpu.dma_semaphore, #tpu.memory_space<semaphore_mem>>, %arg26: memref<!tpu.dma_semaphore, #tpu.memory_space<semaphore_mem>>, %arg27: memref<!tpu.dma_semaphore, #tpu.memory_space<semaphore_mem>>, %arg28: memref<!tpu.dma_semaphore, #tpu.memory_space<semaphore_mem>>, %arg29: memref<!tpu.dma_semaphore, #tpu.memory_space<semaphore_mem>>, %arg30: memref<!tpu.dma_semaphore, #tpu.memory_space<semaphore_mem>>, %arg31: memref<!tpu.dma_semaphore, #tpu.memory_space<semaphore_mem>>, %arg32: memref<!tpu.dma_semaphore, #tpu.memory_space<semaphore_mem>>, %arg33: memref<!tpu.dma_semaphore, #tpu.memory_space<semaphore_mem>>, %arg34: memref<!tpu.dma_semaphore, #tpu.memory_space<semaphore_mem>>, %arg35: memref<!tpu.dma_semaphore, #tpu.memory_space<semaphore_mem>>, %arg36: memref<!tpu.dma_semaphore, #tpu.memory_space<semaphore_mem>>, %arg37: memref<!tpu.dma_semaphore, #tpu.memory_space<semaphore_mem>>, %arg38: memref<!tpu.dma_semaphore, #tpu.memory_space<semaphore_mem>>, %arg39: memref<!tpu.dma_semaphore, #tpu.memory_space<semaphore_mem>>, %arg40: memref<!tpu.dma_semaphore, #tpu.memory_space<semaphore_mem>>, %arg41: memref<!tpu.dma_semaphore, #tpu.memory_space<semaphore_mem>>, %arg42: memref<!tpu.dma_semaphore, #tpu.memory_space<semaphore_mem>>, %arg43: memref<!tpu.dma_semaphore, #tpu.memory_space<semaphore_mem>>, %arg44: memref<!tpu.dma_semaphore, #tpu.memory_space<semaphore_mem>>) attributes {dimension_semantics = [#tpu.dimension_semantics<core_parallel>, #tpu.dimension_semantics<subcore_parallel>], iteration_bounds = array<i64: 2, 16>, scalar_prefetch = 0 : i64, scratch_operands = 40 : i64, tpu.core_type = #tpu.core_type<sc_vector_subcore>, window_params = [{transform_indices = #map}, {transform_indices = #map1}, {transform_indices = #map}]} {
    %mul3A = arith.constant 2 : i32
    %mul3A_0 = arith.muli %arg1, %mul3A : i32
    %add3A = arith.addi %mul3A_0, %arg0 : i32
    %mul3A_1 = arith.constant 256 : i32
    %mul3A_2 = arith.muli %add3A, %mul3A_1 : i32
    %add3A_3 = arith.constant 0 : i32
    %add3A_4 = arith.addi %mul3A_2, %add3A_3 : i32
    %dma_start3A = arith.constant 0 : i32
    %dma_start3A_5 = arith.constant 0 : i32
    %dma_start3A_6 = tpu.memref_slice %arg2[%add3A_4, %dma_start3A, %dma_start3A_5] : memref<8192x4x1024xf32, #tpu.memory_space<hbm>> -> memref<2x4x1024xf32, #tpu.memory_space<hbm>>
    %dma_start3A_7 = arith.constant 0 : i32
    %dma_start3A_8 = arith.constant 0 : i32
    %dma_start3A_9 = tpu.memref_slice %arg2[%add3A_4, %dma_start3A_7, %dma_start3A_8] : memref<8192x4x1024xf32, #tpu.memory_space<hbm>> -> memref<2x4x1024xf32, #tpu.memory_space<hbm>>
    tpu.enqueue_dma source(%dma_start3A_9 : memref<2x4x1024xf32, #tpu.memory_space<hbm>>) target(%arg5 : memref<2x4x1024xf32, #tpu.memory_space<vmem>>) target_semaphore(%arg21 : memref<!tpu.dma_semaphore, #tpu.memory_space<semaphore_mem>>)
    %dma_start3A_10 = arith.constant 0 : i32
    %dma_start3A_11 = tpu.memref_slice %arg3[%add3A_4, %dma_start3A_10] : memref<8192x1024xf32, #tpu.memory_space<hbm>> -> memref<2x1024xf32, #tpu.memory_space<hbm>>
    %dma_start3A_12 = arith.constant 0 : i32
    %dma_start3A_13 = tpu.memref_slice %arg3[%add3A_4, %dma_start3A_12] : memref<8192x1024xf32, #tpu.memory_space<hbm>> -> memref<2x1024xf32, #tpu.memory_space<hbm>>
    tpu.enqueue_dma source(%dma_start3A_13 : memref<2x1024xf32, #tpu.memory_space<hbm>>) target(%arg13 : memref<2x1024xf32, #tpu.memory_space<vmem>>) target_semaphore(%arg29 : memref<!tpu.dma_semaphore, #tpu.memory_space<semaphore_mem>>)
    %add3A_14 = arith.constant 2 : i32
    %add3A_15 = arith.addi %mul3A_2, %add3A_14 : i32
    %dma_start3A_16 = arith.constant 0 : i32
    %dma_start3A_17 = arith.constant 0 : i32
    %dma_start3A_18 = tpu.memref_slice %arg2[%add3A_15, %dma_start3A_16, %dma_start3A_17] : memref<8192x4x1024xf32, #tpu.memory_space<hbm>> -> memref<2x4x1024xf32, #tpu.memory_space<hbm>>
    %dma_start3A_19 = arith.constant 0 : i32
    %dma_start3A_20 = arith.constant 0 : i32
    %dma_start3A_21 = tpu.memref_slice %arg2[%add3A_15, %dma_start3A_19, %dma_start3A_20] : memref<8192x4x1024xf32, #tpu.memory_space<hbm>> -> memref<2x4x1024xf32, #tpu.memory_space<hbm>>
    tpu.enqueue_dma source(%dma_start3A_21 : memref<2x4x1024xf32, #tpu.memory_space<hbm>>) target(%arg6 : memref<2x4x1024xf32, #tpu.memory_space<vmem>>) target_semaphore(%arg22 : memref<!tpu.dma_semaphore, #tpu.memory_space<semaphore_mem>>)
    %dma_start3A_22 = arith.constant 0 : i32
    %dma_start3A_23 = tpu.memref_slice %arg3[%add3A_15, %dma_start3A_22] : memref<8192x1024xf32, #tpu.memory_space<hbm>> -> memref<2x1024xf32, #tpu.memory_space<hbm>>
    %dma_start3A_24 = arith.constant 0 : i32
    %dma_start3A_25 = tpu.memref_slice %arg3[%add3A_15, %dma_start3A_24] : memref<8192x1024xf32, #tpu.memory_space<hbm>> -> memref<2x1024xf32, #tpu.memory_space<hbm>>
    tpu.enqueue_dma source(%dma_start3A_25 : memref<2x1024xf32, #tpu.memory_space<hbm>>) target(%arg14 : memref<2x1024xf32, #tpu.memory_space<vmem>>) target_semaphore(%arg30 : memref<!tpu.dma_semaphore, #tpu.memory_space<semaphore_mem>>)
    %add3A_26 = arith.constant 4 : i32
    %add3A_27 = arith.addi %mul3A_2, %add3A_26 : i32
    %dma_start3A_28 = arith.constant 0 : i32
    %dma_start3A_29 = arith.constant 0 : i32
    %dma_start3A_30 = tpu.memref_slice %arg2[%add3A_27, %dma_start3A_28, %dma_start3A_29] : memref<8192x4x1024xf32, #tpu.memory_space<hbm>> -> memref<2x4x1024xf32, #tpu.memory_space<hbm>>
    %dma_start3A_31 = arith.constant 0 : i32
    %dma_start3A_32 = arith.constant 0 : i32
    %dma_start3A_33 = tpu.memref_slice %arg2[%add3A_27, %dma_start3A_31, %dma_start3A_32] : memref<8192x4x1024xf32, #tpu.memory_space<hbm>> -> memref<2x4x1024xf32, #tpu.memory_space<hbm>>
    tpu.enqueue_dma source(%dma_start3A_33 : memref<2x4x1024xf32, #tpu.memory_space<hbm>>) target(%arg7 : memref<2x4x1024xf32, #tpu.memory_space<vmem>>) target_semaphore(%arg23 : memref<!tpu.dma_semaphore, #tpu.memory_space<semaphore_mem>>)
    %dma_start3A_34 = arith.constant 0 : i32
    %dma_start3A_35 = tpu.memref_slice %arg3[%add3A_27, %dma_start3A_34] : memref<8192x1024xf32, #tpu.memory_space<hbm>> -> memref<2x1024xf32, #tpu.memory_space<hbm>>
    %dma_start3A_36 = arith.constant 0 : i32
    %dma_start3A_37 = tpu.memref_slice %arg3[%add3A_27, %dma_start3A_36] : memref<8192x1024xf32, #tpu.memory_space<hbm>> -> memref<2x1024xf32, #tpu.memory_space<hbm>>
    tpu.enqueue_dma source(%dma_start3A_37 : memref<2x1024xf32, #tpu.memory_space<hbm>>) target(%arg15 : memref<2x1024xf32, #tpu.memory_space<vmem>>) target_semaphore(%arg31 : memref<!tpu.dma_semaphore, #tpu.memory_space<semaphore_mem>>)
    %add3A_38 = arith.constant 6 : i32
    %add3A_39 = arith.addi %mul3A_2, %add3A_38 : i32
    %dma_start3A_40 = arith.constant 0 : i32
    %dma_start3A_41 = arith.constant 0 : i32
    %dma_start3A_42 = tpu.memref_slice %arg2[%add3A_39, %dma_start3A_40, %dma_start3A_41] : memref<8192x4x1024xf32, #tpu.memory_space<hbm>> -> memref<2x4x1024xf32, #tpu.memory_space<hbm>>
    %dma_start3A_43 = arith.constant 0 : i32
    %dma_start3A_44 = arith.constant 0 : i32
    %dma_start3A_45 = tpu.memref_slice %arg2[%add3A_39, %dma_start3A_43, %dma_start3A_44] : memref<8192x4x1024xf32, #tpu.memory_space<hbm>> -> memref<2x4x1024xf32, #tpu.memory_space<hbm>>
    tpu.enqueue_dma source(%dma_start3A_45 : memref<2x4x1024xf32, #tpu.memory_space<hbm>>) target(%arg8 : memref<2x4x1024xf32, #tpu.memory_space<vmem>>) target_semaphore(%arg24 : memref<!tpu.dma_semaphore, #tpu.memory_space<semaphore_mem>>)
    %dma_start3A_46 = arith.constant 0 : i32
    %dma_start3A_47 = tpu.memref_slice %arg3[%add3A_39, %dma_start3A_46] : memref<8192x1024xf32, #tpu.memory_space<hbm>> -> memref<2x1024xf32, #tpu.memory_space<hbm>>
    %dma_start3A_48 = arith.constant 0 : i32
    %dma_start3A_49 = tpu.memref_slice %arg3[%add3A_39, %dma_start3A_48] : memref<8192x1024xf32, #tpu.memory_space<hbm>> -> memref<2x1024xf32, #tpu.memory_space<hbm>>
    tpu.enqueue_dma source(%dma_start3A_49 : memref<2x1024xf32, #tpu.memory_space<hbm>>) target(%arg16 : memref<2x1024xf32, #tpu.memory_space<vmem>>) target_semaphore(%arg32 : memref<!tpu.dma_semaphore, #tpu.memory_space<semaphore_mem>>)
    %scan3A = arith.constant 0 : i32
    %scan3A_50 = arith.constant 0 : i32
    %scan3A_51 = arith.constant 16 : i32
    %scan3A_52 = arith.addi %scan3A_50, %scan3A_51 : i32
    %scan3A_53 = arith.constant 1 : i32
    scf.for %scan3A_86 = %scan3A_50 to %scan3A_52 step %scan3A_53  : i32 {
      %mul3A_87 = arith.constant 8 : i32
      %mul3A_88 = arith.muli %scan3A_86, %mul3A_87 : i32
      %add3A_89 = arith.constant 0 : i32
      %add3A_90 = arith.addi %mul3A_88, %add3A_89 : i32
      %gt3A = arith.constant 0 : i32
      %gt3A_91 = arith.cmpi sgt, %scan3A_86, %gt3A : i32
      %convert_element_type3A = arith.extui %gt3A_91 : i1 to i32
      %cond3A = arith.constant 0 : i32
      %cond3A_92 = arith.cmpi ne, %convert_element_type3A, %cond3A : i32
      scf.if %cond3A_92 {
        %dma_wait3A_430 = arith.constant 0 : i32
        %dma_wait3A_431 = arith.constant 0 : i32
        %dma_wait3A_432 = arith.constant 0 : i32
        %dma_wait3A_433 = tpu.memref_slice %arg4[%dma_wait3A_430, %dma_wait3A_431, %dma_wait3A_432] : memref<8192x4x1024xf32, #tpu.memory_space<hbm>> -> memref<2x4x1024xf32, #tpu.memory_space<hbm>>
        %dma_wait3A_434 = arith.constant 0 : i32
        %dma_wait3A_435 = arith.constant 0 : i32
        %dma_wait3A_436 = arith.constant 0 : i32
        %dma_wait3A_437 = tpu.memref_slice %arg4[%dma_wait3A_434, %dma_wait3A_435, %dma_wait3A_436] : memref<8192x4x1024xf32, #tpu.memory_space<hbm>> -> memref<2x4x1024xf32, #tpu.memory_space<hbm>>
        tpu.wait_dma2 semaphore(%arg41 : memref<!tpu.dma_semaphore, #tpu.memory_space<semaphore_mem>>) src(%arg9 : memref<2x4x1024xf32, #tpu.memory_space<vmem>>) dst(%dma_wait3A_437 : memref<2x4x1024xf32, #tpu.memory_space<hbm>>)
      } else {
      }
      %add3A_93 = arith.constant 4 : i32
      %add3A_94 = arith.addi %add3A_90, %add3A_93 : i32
      %lt3A = arith.constant 128 : i32
      %lt3A_95 = arith.cmpi slt, %add3A_94, %lt3A : i32
      %convert_element_type3A_96 = arith.extui %lt3A_95 : i1 to i32
      %cond3A_97 = arith.constant 0 : i32
      %cond3A_98 = arith.cmpi ne, %convert_element_type3A_96, %cond3A_97 : i32
      scf.if %cond3A_98 {
        %add3A_430 = arith.constant 4 : i32
        %add3A_431 = arith.addi %add3A_90, %add3A_430 : i32
        %mul3A_432 = arith.constant 2 : i32
        %mul3A_433 = arith.muli %add3A_431, %mul3A_432 : i32
        %add3A_434 = arith.addi %mul3A_2, %mul3A_433 : i32
        %dma_start3A_435 = arith.constant 0 : i32
        %dma_start3A_436 = arith.constant 0 : i32
        %dma_start3A_437 = tpu.memref_slice %arg2[%add3A_434, %dma_start3A_435, %dma_start3A_436] : memref<8192x4x1024xf32, #tpu.memory_space<hbm>> -> memref<2x4x1024xf32, #tpu.memory_space<hbm>>
        %dma_start3A_438 = arith.constant 0 : i32
        %dma_start3A_439 = arith.constant 0 : i32
        %dma_start3A_440 = tpu.memref_slice %arg2[%add3A_434, %dma_start3A_438, %dma_start3A_439] : memref<8192x4x1024xf32, #tpu.memory_space<hbm>> -> memref<2x4x1024xf32, #tpu.memory_space<hbm>>
        tpu.enqueue_dma source(%dma_start3A_440 : memref<2x4x1024xf32, #tpu.memory_space<hbm>>) target(%arg9 : memref<2x4x1024xf32, #tpu.memory_space<vmem>>) target_semaphore(%arg25 : memref<!tpu.dma_semaphore, #tpu.memory_space<semaphore_mem>>)
        %dma_start3A_441 = arith.constant 0 : i32
        %dma_start3A_442 = tpu.memref_slice %arg3[%add3A_434, %dma_start3A_441] : memref<8192x1024xf32, #tpu.memory_space<hbm>> -> memref<2x1024xf32, #tpu.memory_space<hbm>>
        %dma_start3A_443 = arith.constant 0 : i32
        %dma_start3A_444 = tpu.memref_slice %arg3[%add3A_434, %dma_start3A_443] : memref<8192x1024xf32, #tpu.memory_space<hbm>> -> memref<2x1024xf32, #tpu.memory_space<hbm>>
        tpu.enqueue_dma source(%dma_start3A_444 : memref<2x1024xf32, #tpu.memory_space<hbm>>) target(%arg17 : memref<2x1024xf32, #tpu.memory_space<vmem>>) target_semaphore(%arg33 : memref<!tpu.dma_semaphore, #tpu.memory_space<semaphore_mem>>)
      } else {
      }
      %dma_wait3A_99 = arith.constant 0 : i32
      %dma_wait3A_100 = arith.constant 0 : i32
      %dma_wait3A_101 = arith.constant 0 : i32
      %dma_wait3A_102 = tpu.memref_slice %arg2[%dma_wait3A_99, %dma_wait3A_100, %dma_wait3A_101] : memref<8192x4x1024xf32, #tpu.memory_space<hbm>> -> memref<2x4x1024xf32, #tpu.memory_space<hbm>>
      %dma_wait3A_103 = arith.constant 0 : i32
      %dma_wait3A_104 = arith.constant 0 : i32
      %dma_wait3A_105 = arith.constant 0 : i32
      %dma_wait3A_106 = tpu.memref_slice %arg2[%dma_wait3A_103, %dma_wait3A_104, %dma_wait3A_105] : memref<8192x4x1024xf32, #tpu.memory_space<hbm>> -> memref<2x4x1024xf32, #tpu.memory_space<hbm>>
      tpu.wait_dma2 semaphore(%arg21 : memref<!tpu.dma_semaphore, #tpu.memory_space<semaphore_mem>>) src(%dma_wait3A_106 : memref<2x4x1024xf32, #tpu.memory_space<hbm>>) dst(%arg5 : memref<2x4x1024xf32, #tpu.memory_space<vmem>>)
      %dma_wait3A_107 = arith.constant 0 : i32
      %dma_wait3A_108 = arith.constant 0 : i32
      %dma_wait3A_109 = tpu.memref_slice %arg3[%dma_wait3A_107, %dma_wait3A_108] : memref<8192x1024xf32, #tpu.memory_space<hbm>> -> memref<2x1024xf32, #tpu.memory_space<hbm>>
      %dma_wait3A_110 = arith.constant 0 : i32
      %dma_wait3A_111 = arith.constant 0 : i32
      %dma_wait3A_112 = tpu.memref_slice %arg3[%dma_wait3A_110, %dma_wait3A_111] : memref<8192x1024xf32, #tpu.memory_space<hbm>> -> memref<2x1024xf32, #tpu.memory_space<hbm>>
      tpu.wait_dma2 semaphore(%arg29 : memref<!tpu.dma_semaphore, #tpu.memory_space<semaphore_mem>>) src(%dma_wait3A_112 : memref<2x1024xf32, #tpu.memory_space<hbm>>) dst(%arg13 : memref<2x1024xf32, #tpu.memory_space<vmem>>)
      %parallel_loop3A = arith.constant 0 : i32
      %parallel_loop3A_113 = arith.constant 128 : i32
      %parallel_loop3A_114 = arith.constant 1 : i32
      scf.for %parallel_loop3A_430 = %parallel_loop3A to %parallel_loop3A_113 step %parallel_loop3A_114  : i32 {
        %parallel_loop3A_431 = arith.constant 64 : i32
        %parallel_loop3A_432 = arith.divsi %parallel_loop3A_430, %parallel_loop3A_431 : i32
        %parallel_loop3A_433 = arith.constant 0 : i32
        %parallel_loop3A_434 = arith.cmpi sgt, %parallel_loop3A_430, %parallel_loop3A_433 : i32
        %parallel_loop3A_435 = arith.extui %parallel_loop3A_434 : i1 to i32
        %parallel_loop3A_436 = arith.constant 0 : i32
        %parallel_loop3A_437 = arith.cmpi slt, %parallel_loop3A_430, %parallel_loop3A_436 : i32
        %parallel_loop3A_438 = arith.extui %parallel_loop3A_437 : i1 to i32
        %parallel_loop3A_439 = arith.subi %parallel_loop3A_435, %parallel_loop3A_438 : i32
        %parallel_loop3A_440 = arith.constant 0 : i32
        %parallel_loop3A_441 = arith.cmpi sgt, %parallel_loop3A_431, %parallel_loop3A_440 : i32
        %parallel_loop3A_442 = arith.extui %parallel_loop3A_441 : i1 to i32
        %parallel_loop3A_443 = arith.constant 0 : i32
        %parallel_loop3A_444 = arith.cmpi slt, %parallel_loop3A_431, %parallel_loop3A_443 : i32
        %parallel_loop3A_445 = arith.extui %parallel_loop3A_444 : i1 to i32
        %parallel_loop3A_446 = arith.subi %parallel_loop3A_442, %parallel_loop3A_445 : i32
        %parallel_loop3A_447 = arith.cmpi ne, %parallel_loop3A_439, %parallel_loop3A_446 : i32
        %parallel_loop3A_448 = arith.remsi %parallel_loop3A_430, %parallel_loop3A_431 : i32
        %parallel_loop3A_449 = arith.constant 0 : i32
        %parallel_loop3A_450 = arith.cmpi ne, %parallel_loop3A_448, %parallel_loop3A_449 : i32
        %parallel_loop3A_451 = arith.andi %parallel_loop3A_447, %parallel_loop3A_450 : i1
        %parallel_loop3A_452 = arith.constant 1 : i32
        %parallel_loop3A_453 = arith.subi %parallel_loop3A_432, %parallel_loop3A_452 : i32
        %parallel_loop3A_454 = arith.select %parallel_loop3A_451, %parallel_loop3A_453, %parallel_loop3A_432 : i32
        %parallel_loop3A_455 = arith.constant 64 : i32
        %parallel_loop3A_456 = arith.constant 0 : i32
        %parallel_loop3A_457 = arith.cmpi eq, %parallel_loop3A_455, %parallel_loop3A_456 : i32
        %parallel_loop3A_458 = arith.constant 1 : i32
        %parallel_loop3A_459 = arith.select %parallel_loop3A_457, %parallel_loop3A_458, %parallel_loop3A_455 : i32
        %parallel_loop3A_460 = arith.remsi %parallel_loop3A_430, %parallel_loop3A_459 : i32
        %parallel_loop3A_461 = arith.constant 0 : i32
        %parallel_loop3A_462 = arith.cmpi ne, %parallel_loop3A_460, %parallel_loop3A_461 : i32
        %parallel_loop3A_463 = arith.constant 0 : i32
        %parallel_loop3A_464 = arith.cmpi slt, %parallel_loop3A_460, %parallel_loop3A_463 : i32
        %parallel_loop3A_465 = arith.constant 0 : i32
        %parallel_loop3A_466 = arith.cmpi slt, %parallel_loop3A_459, %parallel_loop3A_465 : i32
        %parallel_loop3A_467 = arith.xori %parallel_loop3A_464, %parallel_loop3A_466 : i1
        %parallel_loop3A_468 = arith.andi %parallel_loop3A_467, %parallel_loop3A_462 : i1
        %parallel_loop3A_469 = arith.addi %parallel_loop3A_460, %parallel_loop3A_459 : i32
        %parallel_loop3A_470 = arith.select %parallel_loop3A_468, %parallel_loop3A_469, %parallel_loop3A_460 : i32
        %parallel_loop3A_471 = arith.constant 16 : i32
        %parallel_loop3A_472 = arith.muli %parallel_loop3A_470, %parallel_loop3A_471 : i32
        %parallel_loop3A_473 = arith.index_cast %parallel_loop3A_454 : i32 to index
        %parallel_loop3A_474 = arith.index_cast %parallel_loop3A_472 : i32 to index
        %parallel_loop3A_475 = tpu.vector_load %arg13[%parallel_loop3A_473, %parallel_loop3A_474] {strides = array<i32>} : memref<2x1024xf32, #tpu.memory_space<vmem>>, vector<1x16xf32>,
        %parallel_loop3A_476 = vector.shape_cast %parallel_loop3A_475 : vector<1x16xf32> to vector<16xf32>
        %parallel_loop3A_477 = arith.constant 0 : i32
        %parallel_loop3A_478 = arith.index_cast %parallel_loop3A_454 : i32 to index
        %parallel_loop3A_479 = arith.index_cast %parallel_loop3A_477 : i32 to index
        %parallel_loop3A_480 = arith.index_cast %parallel_loop3A_472 : i32 to index
        %parallel_loop3A_481 = tpu.vector_load %arg5[%parallel_loop3A_478, %parallel_loop3A_479, %parallel_loop3A_480] {strides = array<i32>} : memref<2x4x1024xf32, #tpu.memory_space<vmem>>, vector<1x1x16xf32>,
        %parallel_loop3A_482 = vector.shape_cast %parallel_loop3A_481 : vector<1x1x16xf32> to vector<16xf32>
        %parallel_loop3A_483 = vector.shape_cast %parallel_loop3A_476 : vector<16xf32> to vector<1x1x16xf32>
        tpu.vector_store %arg5[%parallel_loop3A_478, %parallel_loop3A_479, %parallel_loop3A_480], %parallel_loop3A_483 {add = true, strides = array<i32>} : memref<2x4x1024xf32, #tpu.memory_space<vmem>>, vector<1x1x16xf32>,
        %parallel_loop3A_484 = arith.constant 1 : i32
        %parallel_loop3A_485 = arith.index_cast %parallel_loop3A_454 : i32 to index
        %parallel_loop3A_486 = arith.index_cast %parallel_loop3A_484 : i32 to index
        %parallel_loop3A_487 = arith.index_cast %parallel_loop3A_472 : i32 to index
        %parallel_loop3A_488 = tpu.vector_load %arg5[%parallel_loop3A_485, %parallel_loop3A_486, %parallel_loop3A_487] {strides = array<i32>} : memref<2x4x1024xf32, #tpu.memory_space<vmem>>, vector<1x1x16xf32>,
        %parallel_loop3A_489 = vector.shape_cast %parallel_loop3A_488 : vector<1x1x16xf32> to vector<16xf32>
        %parallel_loop3A_490 = vector.shape_cast %parallel_loop3A_476 : vector<16xf32> to vector<1x1x16xf32>
        tpu.vector_store %arg5[%parallel_loop3A_485, %parallel_loop3A_486, %parallel_loop3A_487], %parallel_loop3A_490 {add = true, strides = array<i32>} : memref<2x4x1024xf32, #tpu.memory_space<vmem>>, vector<1x1x16xf32>,
        %parallel_loop3A_491 = arith.constant 2 : i32
        %parallel_loop3A_492 = arith.index_cast %parallel_loop3A_454 : i32 to index
        %parallel_loop3A_493 = arith.index_cast %parallel_loop3A_491 : i32 to index
        %parallel_loop3A_494 = arith.index_cast %parallel_loop3A_472 : i32 to index
        %parallel_loop3A_495 = tpu.vector_load %arg5[%parallel_loop3A_492, %parallel_loop3A_493, %parallel_loop3A_494] {strides = array<i32>} : memref<2x4x1024xf32, #tpu.memory_space<vmem>>, vector<1x1x16xf32>,
        %parallel_loop3A_496 = vector.shape_cast %parallel_loop3A_495 : vector<1x1x16xf32> to vector<16xf32>
        %parallel_loop3A_497 = vector.shape_cast %parallel_loop3A_476 : vector<16xf32> to vector<1x1x16xf32>
        tpu.vector_store %arg5[%parallel_loop3A_492, %parallel_loop3A_493, %parallel_loop3A_494], %parallel_loop3A_497 {add = true, strides = array<i32>} : memref<2x4x1024xf32, #tpu.memory_space<vmem>>, vector<1x1x16xf32>,
        %parallel_loop3A_498 = arith.constant 3 : i32
        %parallel_loop3A_499 = arith.index_cast %parallel_loop3A_454 : i32 to index
        %parallel_loop3A_500 = arith.index_cast %parallel_loop3A_498 : i32 to index
        %parallel_loop3A_501 = arith.index_cast %parallel_loop3A_472 : i32 to index
        %parallel_loop3A_502 = tpu.vector_load %arg5[%parallel_loop3A_499, %parallel_loop3A_500, %parallel_loop3A_501] {strides = array<i32>} : memref<2x4x1024xf32, #tpu.memory_space<vmem>>, vector<1x1x16xf32>,
        %parallel_loop3A_503 = vector.shape_cast %parallel_loop3A_502 : vector<1x1x16xf32> to vector<16xf32>
        %parallel_loop3A_504 = vector.shape_cast %parallel_loop3A_476 : vector<16xf32> to vector<1x1x16xf32>
        tpu.vector_store %arg5[%parallel_loop3A_499, %parallel_loop3A_500, %parallel_loop3A_501], %parallel_loop3A_504 {add = true, strides = array<i32>} : memref<2x4x1024xf32, #tpu.memory_space<vmem>>, vector<1x1x16xf32>,
      } {sc.loop_unroll_factor = 4 : i64, sc.parallel_access}
      %mul3A_115 = arith.constant 2 : i32
      %mul3A_116 = arith.muli %add3A_90, %mul3A_115 : i32
      %add3A_117 = arith.addi %mul3A_2, %mul3A_116 : i32
      %dma_start3A_118 = arith.constant 0 : i32
      %dma_start3A_119 = arith.constant 0 : i32
      %dma_start3A_120 = tpu.memref_slice %arg4[%add3A_117, %dma_start3A_118, %dma_start3A_119] : memref<8192x4x1024xf32, #tpu.memory_space<hbm>> -> memref<2x4x1024xf32, #tpu.memory_space<hbm>>
      %dma_start3A_121 = arith.constant 0 : i32
      %dma_start3A_122 = arith.constant 0 : i32
      %dma_start3A_123 = tpu.memref_slice %arg4[%add3A_117, %dma_start3A_121, %dma_start3A_122] : memref<8192x4x1024xf32, #tpu.memory_space<hbm>> -> memref<2x4x1024xf32, #tpu.memory_space<hbm>>
      tpu.enqueue_dma source(%arg5 : memref<2x4x1024xf32, #tpu.memory_space<vmem>>) target(%dma_start3A_123 : memref<2x4x1024xf32, #tpu.memory_space<hbm>>) target_semaphore(%arg37 : memref<!tpu.dma_semaphore, #tpu.memory_space<semaphore_mem>>)
      %mul3A_124 = arith.constant 8 : i32
      %mul3A_125 = arith.muli %scan3A_86, %mul3A_124 : i32
      %add3A_126 = arith.constant 1 : i32
      %add3A_127 = arith.addi %mul3A_125, %add3A_126 : i32
      %gt3A_128 = arith.constant 0 : i32
      %gt3A_129 = arith.cmpi sgt, %scan3A_86, %gt3A_128 : i32
      %convert_element_type3A_130 = arith.extui %gt3A_129 : i1 to i32
      %cond3A_131 = arith.constant 0 : i32
      %cond3A_132 = arith.cmpi ne, %convert_element_type3A_130, %cond3A_131 : i32
      scf.if %cond3A_132 {
        %dma_wait3A_430 = arith.constant 0 : i32
        %dma_wait3A_431 = arith.constant 0 : i32
        %dma_wait3A_432 = arith.constant 0 : i32
        %dma_wait3A_433 = tpu.memref_slice %arg4[%dma_wait3A_430, %dma_wait3A_431, %dma_wait3A_432] : memref<8192x4x1024xf32, #tpu.memory_space<hbm>> -> memref<2x4x1024xf32, #tpu.memory_space<hbm>>
        %dma_wait3A_434 = arith.constant 0 : i32
        %dma_wait3A_435 = arith.constant 0 : i32
        %dma_wait3A_436 = arith.constant 0 : i32
        %dma_wait3A_437 = tpu.memref_slice %arg4[%dma_wait3A_434, %dma_wait3A_435, %dma_wait3A_436] : memref<8192x4x1024xf32, #tpu.memory_space<hbm>> -> memref<2x4x1024xf32, #tpu.memory_space<hbm>>
        tpu.wait_dma2 semaphore(%arg42 : memref<!tpu.dma_semaphore, #tpu.memory_space<semaphore_mem>>) src(%arg10 : memref<2x4x1024xf32, #tpu.memory_space<vmem>>) dst(%dma_wait3A_437 : memref<2x4x1024xf32, #tpu.memory_space<hbm>>)
      } else {
      }
      %add3A_133 = arith.constant 4 : i32
      %add3A_134 = arith.addi %add3A_127, %add3A_133 : i32
      %lt3A_135 = arith.constant 128 : i32
      %lt3A_136 = arith.cmpi slt, %add3A_134, %lt3A_135 : i32
      %convert_element_type3A_137 = arith.extui %lt3A_136 : i1 to i32
      %cond3A_138 = arith.constant 0 : i32
      %cond3A_139 = arith.cmpi ne, %convert_element_type3A_137, %cond3A_138 : i32
      scf.if %cond3A_139 {
        %add3A_430 = arith.constant 4 : i32
        %add3A_431 = arith.addi %add3A_127, %add3A_430 : i32
        %mul3A_432 = arith.constant 2 : i32
        %mul3A_433 = arith.muli %add3A_431, %mul3A_432 : i32
        %add3A_434 = arith.addi %mul3A_2, %mul3A_433 : i32
        %dma_start3A_435 = arith.constant 0 : i32
        %dma_start3A_436 = arith.constant 0 : i32
        %dma_start3A_437 = tpu.memref_slice %arg2[%add3A_434, %dma_start3A_435, %dma_start3A_436] : memref<8192x4x1024xf32, #tpu.memory_space<hbm>> -> memref<2x4x1024xf32, #tpu.memory_space<hbm>>
        %dma_start3A_438 = arith.constant 0 : i32
        %dma_start3A_439 = arith.constant 0 : i32
        %dma_start3A_440 = tpu.memref_slice %arg2[%add3A_434, %dma_start3A_438, %dma_start3A_439] : memref<8192x4x1024xf32, #tpu.memory_space<hbm>> -> memref<2x4x1024xf32, #tpu.memory_space<hbm>>
        tpu.enqueue_dma source(%dma_start3A_440 : memref<2x4x1024xf32, #tpu.memory_space<hbm>>) target(%arg10 : memref<2x4x1024xf32, #tpu.memory_space<vmem>>) target_semaphore(%arg26 : memref<!tpu.dma_semaphore, #tpu.memory_space<semaphore_mem>>)
        %dma_start3A_441 = arith.constant 0 : i32
        %dma_start3A_442 = tpu.memref_slice %arg3[%add3A_434, %dma_start3A_441] : memref<8192x1024xf32, #tpu.memory_space<hbm>> -> memref<2x1024xf32, #tpu.memory_space<hbm>>
        %dma_start3A_443 = arith.constant 0 : i32
        %dma_start3A_444 = tpu.memref_slice %arg3[%add3A_434, %dma_start3A_443] : memref<8192x1024xf32, #tpu.memory_space<hbm>> -> memref<2x1024xf32, #tpu.memory_space<hbm>>
        tpu.enqueue_dma source(%dma_start3A_444 : memref<2x1024xf32, #tpu.memory_space<hbm>>) target(%arg18 : memref<2x1024xf32, #tpu.memory_space<vmem>>) target_semaphore(%arg34 : memref<!tpu.dma_semaphore, #tpu.memory_space<semaphore_mem>>)
      } else {
      }
      %dma_wait3A_140 = arith.constant 0 : i32
      %dma_wait3A_141 = arith.constant 0 : i32
      %dma_wait3A_142 = arith.constant 0 : i32
      %dma_wait3A_143 = tpu.memref_slice %arg2[%dma_wait3A_140, %dma_wait3A_141, %dma_wait3A_142] : memref<8192x4x1024xf32, #tpu.memory_space<hbm>> -> memref<2x4x1024xf32, #tpu.memory_space<hbm>>
      %dma_wait3A_144 = arith.constant 0 : i32
      %dma_wait3A_145 = arith.constant 0 : i32
      %dma_wait3A_146 = arith.constant 0 : i32
      %dma_wait3A_147 = tpu.memref_slice %arg2[%dma_wait3A_144, %dma_wait3A_145, %dma_wait3A_146] : memref<8192x4x1024xf32, #tpu.memory_space<hbm>> -> memref<2x4x1024xf32, #tpu.memory_space<hbm>>
      tpu.wait_dma2 semaphore(%arg22 : memref<!tpu.dma_semaphore, #tpu.memory_space<semaphore_mem>>) src(%dma_wait3A_147 : memref<2x4x1024xf32, #tpu.memory_space<hbm>>) dst(%arg6 : memref<2x4x1024xf32, #tpu.memory_space<vmem>>)
      %dma_wait3A_148 = arith.constant 0 : i32
      %dma_wait3A_149 = arith.constant 0 : i32
      %dma_wait3A_150 = tpu.memref_slice %arg3[%dma_wait3A_148, %dma_wait3A_149] : memref<8192x1024xf32, #tpu.memory_space<hbm>> -> memref<2x1024xf32, #tpu.memory_space<hbm>>
      %dma_wait3A_151 = arith.constant 0 : i32
      %dma_wait3A_152 = arith.constant 0 : i32
      %dma_wait3A_153 = tpu.memref_slice %arg3[%dma_wait3A_151, %dma_wait3A_152] : memref<8192x1024xf32, #tpu.memory_space<hbm>> -> memref<2x1024xf32, #tpu.memory_space<hbm>>
      tpu.wait_dma2 semaphore(%arg30 : memref<!tpu.dma_semaphore, #tpu.memory_space<semaphore_mem>>) src(%dma_wait3A_153 : memref<2x1024xf32, #tpu.memory_space<hbm>>) dst(%arg14 : memref<2x1024xf32, #tpu.memory_space<vmem>>)
      %parallel_loop3A_154 = arith.constant 0 : i32
      %parallel_loop3A_155 = arith.constant 128 : i32
      %parallel_loop3A_156 = arith.constant 1 : i32
      scf.for %parallel_loop3A_430 = %parallel_loop3A_154 to %parallel_loop3A_155 step %parallel_loop3A_156  : i32 {
        %parallel_loop3A_431 = arith.constant 64 : i32
        %parallel_loop3A_432 = arith.divsi %parallel_loop3A_430, %parallel_loop3A_431 : i32
        %parallel_loop3A_433 = arith.constant 0 : i32
        %parallel_loop3A_434 = arith.cmpi sgt, %parallel_loop3A_430, %parallel_loop3A_433 : i32
        %parallel_loop3A_435 = arith.extui %parallel_loop3A_434 : i1 to i32
        %parallel_loop3A_436 = arith.constant 0 : i32
        %parallel_loop3A_437 = arith.cmpi slt, %parallel_loop3A_430, %parallel_loop3A_436 : i32
        %parallel_loop3A_438 = arith.extui %parallel_loop3A_437 : i1 to i32
        %parallel_loop3A_439 = arith.subi %parallel_loop3A_435, %parallel_loop3A_438 : i32
        %parallel_loop3A_440 = arith.constant 0 : i32
        %parallel_loop3A_441 = arith.cmpi sgt, %parallel_loop3A_431, %parallel_loop3A_440 : i32
        %parallel_loop3A_442 = arith.extui %parallel_loop3A_441 : i1 to i32
        %parallel_loop3A_443 = arith.constant 0 : i32
        %parallel_loop3A_444 = arith.cmpi slt, %parallel_loop3A_431, %parallel_loop3A_443 : i32
        %parallel_loop3A_445 = arith.extui %parallel_loop3A_444 : i1 to i32
        %parallel_loop3A_446 = arith.subi %parallel_loop3A_442, %parallel_loop3A_445 : i32
        %parallel_loop3A_447 = arith.cmpi ne, %parallel_loop3A_439, %parallel_loop3A_446 : i32
        %parallel_loop3A_448 = arith.remsi %parallel_loop3A_430, %parallel_loop3A_431 : i32
        %parallel_loop3A_449 = arith.constant 0 : i32
        %parallel_loop3A_450 = arith.cmpi ne, %parallel_loop3A_448, %parallel_loop3A_449 : i32
        %parallel_loop3A_451 = arith.andi %parallel_loop3A_447, %parallel_loop3A_450 : i1
        %parallel_loop3A_452 = arith.constant 1 : i32
        %parallel_loop3A_453 = arith.subi %parallel_loop3A_432, %parallel_loop3A_452 : i32
        %parallel_loop3A_454 = arith.select %parallel_loop3A_451, %parallel_loop3A_453, %parallel_loop3A_432 : i32
        %parallel_loop3A_455 = arith.constant 64 : i32
        %parallel_loop3A_456 = arith.constant 0 : i32
        %parallel_loop3A_457 = arith.cmpi eq, %parallel_loop3A_455, %parallel_loop3A_456 : i32
        %parallel_loop3A_458 = arith.constant 1 : i32
        %parallel_loop3A_459 = arith.select %parallel_loop3A_457, %parallel_loop3A_458, %parallel_loop3A_455 : i32
        %parallel_loop3A_460 = arith.remsi %parallel_loop3A_430, %parallel_loop3A_459 : i32
        %parallel_loop3A_461 = arith.constant 0 : i32
        %parallel_loop3A_462 = arith.cmpi ne, %parallel_loop3A_460, %parallel_loop3A_461 : i32
        %parallel_loop3A_463 = arith.constant 0 : i32
        %parallel_loop3A_464 = arith.cmpi slt, %parallel_loop3A_460, %parallel_loop3A_463 : i32
        %parallel_loop3A_465 = arith.constant 0 : i32
        %parallel_loop3A_466 = arith.cmpi slt, %parallel_loop3A_459, %parallel_loop3A_465 : i32
        %parallel_loop3A_467 = arith.xori %parallel_loop3A_464, %parallel_loop3A_466 : i1
        %parallel_loop3A_468 = arith.andi %parallel_loop3A_467, %parallel_loop3A_462 : i1
        %parallel_loop3A_469 = arith.addi %parallel_loop3A_460, %parallel_loop3A_459 : i32
        %parallel_loop3A_470 = arith.select %parallel_loop3A_468, %parallel_loop3A_469, %parallel_loop3A_460 : i32
        %parallel_loop3A_471 = arith.constant 16 : i32
        %parallel_loop3A_472 = arith.muli %parallel_loop3A_470, %parallel_loop3A_471 : i32
        %parallel_loop3A_473 = arith.index_cast %parallel_loop3A_454 : i32 to index
        %parallel_loop3A_474 = arith.index_cast %parallel_loop3A_472 : i32 to index
        %parallel_loop3A_475 = tpu.vector_load %arg14[%parallel_loop3A_473, %parallel_loop3A_474] {strides = array<i32>} : memref<2x1024xf32, #tpu.memory_space<vmem>>, vector<1x16xf32>,
        %parallel_loop3A_476 = vector.shape_cast %parallel_loop3A_475 : vector<1x16xf32> to vector<16xf32>
        %parallel_loop3A_477 = arith.constant 0 : i32
        %parallel_loop3A_478 = arith.index_cast %parallel_loop3A_454 : i32 to index
        %parallel_loop3A_479 = arith.index_cast %parallel_loop3A_477 : i32 to index
        %parallel_loop3A_480 = arith.index_cast %parallel_loop3A_472 : i32 to index
        %parallel_loop3A_481 = tpu.vector_load %arg6[%parallel_loop3A_478, %parallel_loop3A_479, %parallel_loop3A_480] {strides = array<i32>} : memref<2x4x1024xf32, #tpu.memory_space<vmem>>, vector<1x1x16xf32>,
        %parallel_loop3A_482 = vector.shape_cast %parallel_loop3A_481 : vector<1x1x16xf32> to vector<16xf32>
        %parallel_loop3A_483 = vector.shape_cast %parallel_loop3A_476 : vector<16xf32> to vector<1x1x16xf32>
        tpu.vector_store %arg6[%parallel_loop3A_478, %parallel_loop3A_479, %parallel_loop3A_480], %parallel_loop3A_483 {add = true, strides = array<i32>} : memref<2x4x1024xf32, #tpu.memory_space<vmem>>, vector<1x1x16xf32>,
        %parallel_loop3A_484 = arith.constant 1 : i32
        %parallel_loop3A_485 = arith.index_cast %parallel_loop3A_454 : i32 to index
        %parallel_loop3A_486 = arith.index_cast %parallel_loop3A_484 : i32 to index
        %parallel_loop3A_487 = arith.index_cast %parallel_loop3A_472 : i32 to index
        %parallel_loop3A_488 = tpu.vector_load %arg6[%parallel_loop3A_485, %parallel_loop3A_486, %parallel_loop3A_487] {strides = array<i32>} : memref<2x4x1024xf32, #tpu.memory_space<vmem>>, vector<1x1x16xf32>,
        %parallel_loop3A_489 = vector.shape_cast %parallel_loop3A_488 : vector<1x1x16xf32> to vector<16xf32>
        %parallel_loop3A_490 = vector.shape_cast %parallel_loop3A_476 : vector<16xf32> to vector<1x1x16xf32>
        tpu.vector_store %arg6[%parallel_loop3A_485, %parallel_loop3A_486, %parallel_loop3A_487], %parallel_loop3A_490 {add = true, strides = array<i32>} : memref<2x4x1024xf32, #tpu.memory_space<vmem>>, vector<1x1x16xf32>,
        %parallel_loop3A_491 = arith.constant 2 : i32
        %parallel_loop3A_492 = arith.index_cast %parallel_loop3A_454 : i32 to index
        %parallel_loop3A_493 = arith.index_cast %parallel_loop3A_491 : i32 to index
        %parallel_loop3A_494 = arith.index_cast %parallel_loop3A_472 : i32 to index
        %parallel_loop3A_495 = tpu.vector_load %arg6[%parallel_loop3A_492, %parallel_loop3A_493, %parallel_loop3A_494] {strides = array<i32>} : memref<2x4x1024xf32, #tpu.memory_space<vmem>>, vector<1x1x16xf32>,
        %parallel_loop3A_496 = vector.shape_cast %parallel_loop3A_495 : vector<1x1x16xf32> to vector<16xf32>
        %parallel_loop3A_497 = vector.shape_cast %parallel_loop3A_476 : vector<16xf32> to vector<1x1x16xf32>
        tpu.vector_store %arg6[%parallel_loop3A_492, %parallel_loop3A_493, %parallel_loop3A_494], %parallel_loop3A_497 {add = true, strides = array<i32>} : memref<2x4x1024xf32, #tpu.memory_space<vmem>>, vector<1x1x16xf32>,
        %parallel_loop3A_498 = arith.constant 3 : i32
        %parallel_loop3A_499 = arith.index_cast %parallel_loop3A_454 : i32 to index
        %parallel_loop3A_500 = arith.index_cast %parallel_loop3A_498 : i32 to index
        %parallel_loop3A_501 = arith.index_cast %parallel_loop3A_472 : i32 to index
        %parallel_loop3A_502 = tpu.vector_load %arg6[%parallel_loop3A_499, %parallel_loop3A_500, %parallel_loop3A_501] {strides = array<i32>} : memref<2x4x1024xf32, #tpu.memory_space<vmem>>, vector<1x1x16xf32>,
        %parallel_loop3A_503 = vector.shape_cast %parallel_loop3A_502 : vector<1x1x16xf32> to vector<16xf32>
        %parallel_loop3A_504 = vector.shape_cast %parallel_loop3A_476 : vector<16xf32> to vector<1x1x16xf32>
        tpu.vector_store %arg6[%parallel_loop3A_499, %parallel_loop3A_500, %parallel_loop3A_501], %parallel_loop3A_504 {add = true, strides = array<i32>} : memref<2x4x1024xf32, #tpu.memory_space<vmem>>, vector<1x1x16xf32>,
      } {sc.loop_unroll_factor = 4 : i64, sc.parallel_access}
      %mul3A_157 = arith.constant 2 : i32
      %mul3A_158 = arith.muli %add3A_127, %mul3A_157 : i32
      %add3A_159 = arith.addi %mul3A_2, %mul3A_158 : i32
      %dma_start3A_160 = arith.constant 0 : i32
      %dma_start3A_161 = arith.constant 0 : i32
      %dma_start3A_162 = tpu.memref_slice %arg4[%add3A_159, %dma_start3A_160, %dma_start3A_161] : memref<8192x4x1024xf32, #tpu.memory_space<hbm>> -> memref<2x4x1024xf32, #tpu.memory_space<hbm>>
      %dma_start3A_163 = arith.constant 0 : i32
      %dma_start3A_164 = arith.constant 0 : i32
      %dma_start3A_165 = tpu.memref_slice %arg4[%add3A_159, %dma_start3A_163, %dma_start3A_164] : memref<8192x4x1024xf32, #tpu.memory_space<hbm>> -> memref<2x4x1024xf32, #tpu.memory_space<hbm>>
      tpu.enqueue_dma source(%arg6 : memref<2x4x1024xf32, #tpu.memory_space<vmem>>) target(%dma_start3A_165 : memref<2x4x1024xf32, #tpu.memory_space<hbm>>) target_semaphore(%arg38 : memref<!tpu.dma_semaphore, #tpu.memory_space<semaphore_mem>>)
      %mul3A_166 = arith.constant 8 : i32
      %mul3A_167 = arith.muli %scan3A_86, %mul3A_166 : i32
      %add3A_168 = arith.constant 2 : i32
      %add3A_169 = arith.addi %mul3A_167, %add3A_168 : i32
      %gt3A_170 = arith.constant 0 : i32
      %gt3A_171 = arith.cmpi sgt, %scan3A_86, %gt3A_170 : i32
      %convert_element_type3A_172 = arith.extui %gt3A_171 : i1 to i32
      %cond3A_173 = arith.constant 0 : i32
      %cond3A_174 = arith.cmpi ne, %convert_element_type3A_172, %cond3A_173 : i32
      scf.if %cond3A_174 {
        %dma_wait3A_430 = arith.constant 0 : i32
        %dma_wait3A_431 = arith.constant 0 : i32
        %dma_wait3A_432 = arith.constant 0 : i32
        %dma_wait3A_433 = tpu.memref_slice %arg4[%dma_wait3A_430, %dma_wait3A_431, %dma_wait3A_432] : memref<8192x4x1024xf32, #tpu.memory_space<hbm>> -> memref<2x4x1024xf32, #tpu.memory_space<hbm>>
        %dma_wait3A_434 = arith.constant 0 : i32
        %dma_wait3A_435 = arith.constant 0 : i32
        %dma_wait3A_436 = arith.constant 0 : i32
        %dma_wait3A_437 = tpu.memref_slice %arg4[%dma_wait3A_434, %dma_wait3A_435, %dma_wait3A_436] : memref<8192x4x1024xf32, #tpu.memory_space<hbm>> -> memref<2x4x1024xf32, #tpu.memory_space<hbm>>
        tpu.wait_dma2 semaphore(%arg43 : memref<!tpu.dma_semaphore, #tpu.memory_space<semaphore_mem>>) src(%arg11 : memref<2x4x1024xf32, #tpu.memory_space<vmem>>) dst(%dma_wait3A_437 : memref<2x4x1024xf32, #tpu.memory_space<hbm>>)
      } else {
      }
      %add3A_175 = arith.constant 4 : i32
      %add3A_176 = arith.addi %add3A_169, %add3A_175 : i32
      %lt3A_177 = arith.constant 128 : i32
      %lt3A_178 = arith.cmpi slt, %add3A_176, %lt3A_177 : i32
      %convert_element_type3A_179 = arith.extui %lt3A_178 : i1 to i32
      %cond3A_180 = arith.constant 0 : i32
      %cond3A_181 = arith.cmpi ne, %convert_element_type3A_179, %cond3A_180 : i32
      scf.if %cond3A_181 {
        %add3A_430 = arith.constant 4 : i32
        %add3A_431 = arith.addi %add3A_169, %add3A_430 : i32
        %mul3A_432 = arith.constant 2 : i32
        %mul3A_433 = arith.muli %add3A_431, %mul3A_432 : i32
        %add3A_434 = arith.addi %mul3A_2, %mul3A_433 : i32
        %dma_start3A_435 = arith.constant 0 : i32
        %dma_start3A_436 = arith.constant 0 : i32
        %dma_start3A_437 = tpu.memref_slice %arg2[%add3A_434, %dma_start3A_435, %dma_start3A_436] : memref<8192x4x1024xf32, #tpu.memory_space<hbm>> -> memref<2x4x1024xf32, #tpu.memory_space<hbm>>
        %dma_start3A_438 = arith.constant 0 : i32
        %dma_start3A_439 = arith.constant 0 : i32
        %dma_start3A_440 = tpu.memref_slice %arg2[%add3A_434, %dma_start3A_438, %dma_start3A_439] : memref<8192x4x1024xf32, #tpu.memory_space<hbm>> -> memref<2x4x1024xf32, #tpu.memory_space<hbm>>
        tpu.enqueue_dma source(%dma_start3A_440 : memref<2x4x1024xf32, #tpu.memory_space<hbm>>) target(%arg11 : memref<2x4x1024xf32, #tpu.memory_space<vmem>>) target_semaphore(%arg27 : memref<!tpu.dma_semaphore, #tpu.memory_space<semaphore_mem>>)
        %dma_start3A_441 = arith.constant 0 : i32
        %dma_start3A_442 = tpu.memref_slice %arg3[%add3A_434, %dma_start3A_441] : memref<8192x1024xf32, #tpu.memory_space<hbm>> -> memref<2x1024xf32, #tpu.memory_space<hbm>>
        %dma_start3A_443 = arith.constant 0 : i32
        %dma_start3A_444 = tpu.memref_slice %arg3[%add3A_434, %dma_start3A_443] : memref<8192x1024xf32, #tpu.memory_space<hbm>> -> memref<2x1024xf32, #tpu.memory_space<hbm>>
        tpu.enqueue_dma source(%dma_start3A_444 : memref<2x1024xf32, #tpu.memory_space<hbm>>) target(%arg19 : memref<2x1024xf32, #tpu.memory_space<vmem>>) target_semaphore(%arg35 : memref<!tpu.dma_semaphore, #tpu.memory_space<semaphore_mem>>)
      } else {
      }
      %dma_wait3A_182 = arith.constant 0 : i32
      %dma_wait3A_183 = arith.constant 0 : i32
      %dma_wait3A_184 = arith.constant 0 : i32
      %dma_wait3A_185 = tpu.memref_slice %arg2[%dma_wait3A_182, %dma_wait3A_183, %dma_wait3A_184] : memref<8192x4x1024xf32, #tpu.memory_space<hbm>> -> memref<2x4x1024xf32, #tpu.memory_space<hbm>>
      %dma_wait3A_186 = arith.constant 0 : i32
      %dma_wait3A_187 = arith.constant 0 : i32
      %dma_wait3A_188 = arith.constant 0 : i32
      %dma_wait3A_189 = tpu.memref_slice %arg2[%dma_wait3A_186, %dma_wait3A_187, %dma_wait3A_188] : memref<8192x4x1024xf32, #tpu.memory_space<hbm>> -> memref<2x4x1024xf32, #tpu.memory_space<hbm>>
      tpu.wait_dma2 semaphore(%arg23 : memref<!tpu.dma_semaphore, #tpu.memory_space<semaphore_mem>>) src(%dma_wait3A_189 : memref<2x4x1024xf32, #tpu.memory_space<hbm>>) dst(%arg7 : memref<2x4x1024xf32, #tpu.memory_space<vmem>>)
      %dma_wait3A_190 = arith.constant 0 : i32
      %dma_wait3A_191 = arith.constant 0 : i32
      %dma_wait3A_192 = tpu.memref_slice %arg3[%dma_wait3A_190, %dma_wait3A_191] : memref<8192x1024xf32, #tpu.memory_space<hbm>> -> memref<2x1024xf32, #tpu.memory_space<hbm>>
      %dma_wait3A_193 = arith.constant 0 : i32
      %dma_wait3A_194 = arith.constant 0 : i32
      %dma_wait3A_195 = tpu.memref_slice %arg3[%dma_wait3A_193, %dma_wait3A_194] : memref<8192x1024xf32, #tpu.memory_space<hbm>> -> memref<2x1024xf32, #tpu.memory_space<hbm>>
      tpu.wait_dma2 semaphore(%arg31 : memref<!tpu.dma_semaphore, #tpu.memory_space<semaphore_mem>>) src(%dma_wait3A_195 : memref<2x1024xf32, #tpu.memory_space<hbm>>) dst(%arg15 : memref<2x1024xf32, #tpu.memory_space<vmem>>)
      %parallel_loop3A_196 = arith.constant 0 : i32
      %parallel_loop3A_197 = arith.constant 128 : i32
      %parallel_loop3A_198 = arith.constant 1 : i32
      scf.for %parallel_loop3A_430 = %parallel_loop3A_196 to %parallel_loop3A_197 step %parallel_loop3A_198  : i32 {
        %parallel_loop3A_431 = arith.constant 64 : i32
        %parallel_loop3A_432 = arith.divsi %parallel_loop3A_430, %parallel_loop3A_431 : i32
        %parallel_loop3A_433 = arith.constant 0 : i32
        %parallel_loop3A_434 = arith.cmpi sgt, %parallel_loop3A_430, %parallel_loop3A_433 : i32
        %parallel_loop3A_435 = arith.extui %parallel_loop3A_434 : i1 to i32
        %parallel_loop3A_436 = arith.constant 0 : i32
        %parallel_loop3A_437 = arith.cmpi slt, %parallel_loop3A_430, %parallel_loop3A_436 : i32
        %parallel_loop3A_438 = arith.extui %parallel_loop3A_437 : i1 to i32
        %parallel_loop3A_439 = arith.subi %parallel_loop3A_435, %parallel_loop3A_438 : i32
        %parallel_loop3A_440 = arith.constant 0 : i32
        %parallel_loop3A_441 = arith.cmpi sgt, %parallel_loop3A_431, %parallel_loop3A_440 : i32
        %parallel_loop3A_442 = arith.extui %parallel_loop3A_441 : i1 to i32
        %parallel_loop3A_443 = arith.constant 0 : i32
        %parallel_loop3A_444 = arith.cmpi slt, %parallel_loop3A_431, %parallel_loop3A_443 : i32
        %parallel_loop3A_445 = arith.extui %parallel_loop3A_444 : i1 to i32
        %parallel_loop3A_446 = arith.subi %parallel_loop3A_442, %parallel_loop3A_445 : i32
        %parallel_loop3A_447 = arith.cmpi ne, %parallel_loop3A_439, %parallel_loop3A_446 : i32
        %parallel_loop3A_448 = arith.remsi %parallel_loop3A_430, %parallel_loop3A_431 : i32
        %parallel_loop3A_449 = arith.constant 0 : i32
        %parallel_loop3A_450 = arith.cmpi ne, %parallel_loop3A_448, %parallel_loop3A_449 : i32
        %parallel_loop3A_451 = arith.andi %parallel_loop3A_447, %parallel_loop3A_450 : i1
        %parallel_loop3A_452 = arith.constant 1 : i32
        %parallel_loop3A_453 = arith.subi %parallel_loop3A_432, %parallel_loop3A_452 : i32
        %parallel_loop3A_454 = arith.select %parallel_loop3A_451, %parallel_loop3A_453, %parallel_loop3A_432 : i32
        %parallel_loop3A_455 = arith.constant 64 : i32
        %parallel_loop3A_456 = arith.constant 0 : i32
        %parallel_loop3A_457 = arith.cmpi eq, %parallel_loop3A_455, %parallel_loop3A_456 : i32
        %parallel_loop3A_458 = arith.constant 1 : i32
        %parallel_loop3A_459 = arith.select %parallel_loop3A_457, %parallel_loop3A_458, %parallel_loop3A_455 : i32
        %parallel_loop3A_460 = arith.remsi %parallel_loop3A_430, %parallel_loop3A_459 : i32
        %parallel_loop3A_461 = arith.constant 0 : i32
        %parallel_loop3A_462 = arith.cmpi ne, %parallel_loop3A_460, %parallel_loop3A_461 : i32
        %parallel_loop3A_463 = arith.constant 0 : i32
        %parallel_loop3A_464 = arith.cmpi slt, %parallel_loop3A_460, %parallel_loop3A_463 : i32
        %parallel_loop3A_465 = arith.constant 0 : i32
        %parallel_loop3A_466 = arith.cmpi slt, %parallel_loop3A_459, %parallel_loop3A_465 : i32
        %parallel_loop3A_467 = arith.xori %parallel_loop3A_464, %parallel_loop3A_466 : i1
        %parallel_loop3A_468 = arith.andi %parallel_loop3A_467, %parallel_loop3A_462 : i1
        %parallel_loop3A_469 = arith.addi %parallel_loop3A_460, %parallel_loop3A_459 : i32
        %parallel_loop3A_470 = arith.select %parallel_loop3A_468, %parallel_loop3A_469, %parallel_loop3A_460 : i32
        %parallel_loop3A_471 = arith.constant 16 : i32
        %parallel_loop3A_472 = arith.muli %parallel_loop3A_470, %parallel_loop3A_471 : i32
        %parallel_loop3A_473 = arith.index_cast %parallel_loop3A_454 : i32 to index
        %parallel_loop3A_474 = arith.index_cast %parallel_loop3A_472 : i32 to index
        %parallel_loop3A_475 = tpu.vector_load %arg15[%parallel_loop3A_473, %parallel_loop3A_474] {strides = array<i32>} : memref<2x1024xf32, #tpu.memory_space<vmem>>, vector<1x16xf32>,
        %parallel_loop3A_476 = vector.shape_cast %parallel_loop3A_475 : vector<1x16xf32> to vector<16xf32>
        %parallel_loop3A_477 = arith.constant 0 : i32
        %parallel_loop3A_478 = arith.index_cast %parallel_loop3A_454 : i32 to index
        %parallel_loop3A_479 = arith.index_cast %parallel_loop3A_477 : i32 to index
        %parallel_loop3A_480 = arith.index_cast %parallel_loop3A_472 : i32 to index
        %parallel_loop3A_481 = tpu.vector_load %arg7[%parallel_loop3A_478, %parallel_loop3A_479, %parallel_loop3A_480] {strides = array<i32>} : memref<2x4x1024xf32, #tpu.memory_space<vmem>>, vector<1x1x16xf32>,
        %parallel_loop3A_482 = vector.shape_cast %parallel_loop3A_481 : vector<1x1x16xf32> to vector<16xf32>
        %parallel_loop3A_483 = vector.shape_cast %parallel_loop3A_476 : vector<16xf32> to vector<1x1x16xf32>
        tpu.vector_store %arg7[%parallel_loop3A_478, %parallel_loop3A_479, %parallel_loop3A_480], %parallel_loop3A_483 {add = true, strides = array<i32>} : memref<2x4x1024xf32, #tpu.memory_space<vmem>>, vector<1x1x16xf32>,
        %parallel_loop3A_484 = arith.constant 1 : i32
        %parallel_loop3A_485 = arith.index_cast %parallel_loop3A_454 : i32 to index
        %parallel_loop3A_486 = arith.index_cast %parallel_loop3A_484 : i32 to index
        %parallel_loop3A_487 = arith.index_cast %parallel_loop3A_472 : i32 to index
        %parallel_loop3A_488 = tpu.vector_load %arg7[%parallel_loop3A_485, %parallel_loop3A_486, %parallel_loop3A_487] {strides = array<i32>} : memref<2x4x1024xf32, #tpu.memory_space<vmem>>, vector<1x1x16xf32>,
        %parallel_loop3A_489 = vector.shape_cast %parallel_loop3A_488 : vector<1x1x16xf32> to vector<16xf32>
        %parallel_loop3A_490 = vector.shape_cast %parallel_loop3A_476 : vector<16xf32> to vector<1x1x16xf32>
        tpu.vector_store %arg7[%parallel_loop3A_485, %parallel_loop3A_486, %parallel_loop3A_487], %parallel_loop3A_490 {add = true, strides = array<i32>} : memref<2x4x1024xf32, #tpu.memory_space<vmem>>, vector<1x1x16xf32>,
        %parallel_loop3A_491 = arith.constant 2 : i32
        %parallel_loop3A_492 = arith.index_cast %parallel_loop3A_454 : i32 to index
        %parallel_loop3A_493 = arith.index_cast %parallel_loop3A_491 : i32 to index
        %parallel_loop3A_494 = arith.index_cast %parallel_loop3A_472 : i32 to index
        %parallel_loop3A_495 = tpu.vector_load %arg7[%parallel_loop3A_492, %parallel_loop3A_493, %parallel_loop3A_494] {strides = array<i32>} : memref<2x4x1024xf32, #tpu.memory_space<vmem>>, vector<1x1x16xf32>,
        %parallel_loop3A_496 = vector.shape_cast %parallel_loop3A_495 : vector<1x1x16xf32> to vector<16xf32>
        %parallel_loop3A_497 = vector.shape_cast %parallel_loop3A_476 : vector<16xf32> to vector<1x1x16xf32>
        tpu.vector_store %arg7[%parallel_loop3A_492, %parallel_loop3A_493, %parallel_loop3A_494], %parallel_loop3A_497 {add = true, strides = array<i32>} : memref<2x4x1024xf32, #tpu.memory_space<vmem>>, vector<1x1x16xf32>,
        %parallel_loop3A_498 = arith.constant 3 : i32
        %parallel_loop3A_499 = arith.index_cast %parallel_loop3A_454 : i32 to index
        %parallel_loop3A_500 = arith.index_cast %parallel_loop3A_498 : i32 to index
        %parallel_loop3A_501 = arith.index_cast %parallel_loop3A_472 : i32 to index
        %parallel_loop3A_502 = tpu.vector_load %arg7[%parallel_loop3A_499, %parallel_loop3A_500, %parallel_loop3A_501] {strides = array<i32>} : memref<2x4x1024xf32, #tpu.memory_space<vmem>>, vector<1x1x16xf32>,
        %parallel_loop3A_503 = vector.shape_cast %parallel_loop3A_502 : vector<1x1x16xf32> to vector<16xf32>
        %parallel_loop3A_504 = vector.shape_cast %parallel_loop3A_476 : vector<16xf32> to vector<1x1x16xf32>
        tpu.vector_store %arg7[%parallel_loop3A_499, %parallel_loop3A_500, %parallel_loop3A_501], %parallel_loop3A_504 {add = true, strides = array<i32>} : memref<2x4x1024xf32, #tpu.memory_space<vmem>>, vector<1x1x16xf32>,
      } {sc.loop_unroll_factor = 4 : i64, sc.parallel_access}
      %mul3A_199 = arith.constant 2 : i32
      %mul3A_200 = arith.muli %add3A_169, %mul3A_199 : i32
      %add3A_201 = arith.addi %mul3A_2, %mul3A_200 : i32
      %dma_start3A_202 = arith.constant 0 : i32
      %dma_start3A_203 = arith.constant 0 : i32
      %dma_start3A_204 = tpu.memref_slice %arg4[%add3A_201, %dma_start3A_202, %dma_start3A_203] : memref<8192x4x1024xf32, #tpu.memory_space<hbm>> -> memref<2x4x1024xf32, #tpu.memory_space<hbm>>
      %dma_start3A_205 = arith.constant 0 : i32
      %dma_start3A_206 = arith.constant 0 : i32
      %dma_start3A_207 = tpu.memref_slice %arg4[%add3A_201, %dma_start3A_205, %dma_start3A_206] : memref<8192x4x1024xf32, #tpu.memory_space<hbm>> -> memref<2x4x1024xf32, #tpu.memory_space<hbm>>
      tpu.enqueue_dma source(%arg7 : memref<2x4x1024xf32, #tpu.memory_space<vmem>>) target(%dma_start3A_207 : memref<2x4x1024xf32, #tpu.memory_space<hbm>>) target_semaphore(%arg39 : memref<!tpu.dma_semaphore, #tpu.memory_space<semaphore_mem>>)
      %mul3A_208 = arith.constant 8 : i32
      %mul3A_209 = arith.muli %scan3A_86, %mul3A_208 : i32
      %add3A_210 = arith.constant 3 : i32
      %add3A_211 = arith.addi %mul3A_209, %add3A_210 : i32
      %gt3A_212 = arith.constant 0 : i32
      %gt3A_213 = arith.cmpi sgt, %scan3A_86, %gt3A_212 : i32
      %convert_element_type3A_214 = arith.extui %gt3A_213 : i1 to i32
      %cond3A_215 = arith.constant 0 : i32
      %cond3A_216 = arith.cmpi ne, %convert_element_type3A_214, %cond3A_215 : i32
      scf.if %cond3A_216 {
        %dma_wait3A_430 = arith.constant 0 : i32
        %dma_wait3A_431 = arith.constant 0 : i32
        %dma_wait3A_432 = arith.constant 0 : i32
        %dma_wait3A_433 = tpu.memref_slice %arg4[%dma_wait3A_430, %dma_wait3A_431, %dma_wait3A_432] : memref<8192x4x1024xf32, #tpu.memory_space<hbm>> -> memref<2x4x1024xf32, #tpu.memory_space<hbm>>
        %dma_wait3A_434 = arith.constant 0 : i32
        %dma_wait3A_435 = arith.constant 0 : i32
        %dma_wait3A_436 = arith.constant 0 : i32
        %dma_wait3A_437 = tpu.memref_slice %arg4[%dma_wait3A_434, %dma_wait3A_435, %dma_wait3A_436] : memref<8192x4x1024xf32, #tpu.memory_space<hbm>> -> memref<2x4x1024xf32, #tpu.memory_space<hbm>>
        tpu.wait_dma2 semaphore(%arg44 : memref<!tpu.dma_semaphore, #tpu.memory_space<semaphore_mem>>) src(%arg12 : memref<2x4x1024xf32, #tpu.memory_space<vmem>>) dst(%dma_wait3A_437 : memref<2x4x1024xf32, #tpu.memory_space<hbm>>)
      } else {
      }
      %add3A_217 = arith.constant 4 : i32
      %add3A_218 = arith.addi %add3A_211, %add3A_217 : i32
      %lt3A_219 = arith.constant 128 : i32
      %lt3A_220 = arith.cmpi slt, %add3A_218, %lt3A_219 : i32
      %convert_element_type3A_221 = arith.extui %lt3A_220 : i1 to i32
      %cond3A_222 = arith.constant 0 : i32
      %cond3A_223 = arith.cmpi ne, %convert_element_type3A_221, %cond3A_222 : i32
      scf.if %cond3A_223 {
        %add3A_430 = arith.constant 4 : i32
        %add3A_431 = arith.addi %add3A_211, %add3A_430 : i32
        %mul3A_432 = arith.constant 2 : i32
        %mul3A_433 = arith.muli %add3A_431, %mul3A_432 : i32
        %add3A_434 = arith.addi %mul3A_2, %mul3A_433 : i32
        %dma_start3A_435 = arith.constant 0 : i32
        %dma_start3A_436 = arith.constant 0 : i32
        %dma_start3A_437 = tpu.memref_slice %arg2[%add3A_434, %dma_start3A_435, %dma_start3A_436] : memref<8192x4x1024xf32, #tpu.memory_space<hbm>> -> memref<2x4x1024xf32, #tpu.memory_space<hbm>>
        %dma_start3A_438 = arith.constant 0 : i32
        %dma_start3A_439 = arith.constant 0 : i32
        %dma_start3A_440 = tpu.memref_slice %arg2[%add3A_434, %dma_start3A_438, %dma_start3A_439] : memref<8192x4x1024xf32, #tpu.memory_space<hbm>> -> memref<2x4x1024xf32, #tpu.memory_space<hbm>>
        tpu.enqueue_dma source(%dma_start3A_440 : memref<2x4x1024xf32, #tpu.memory_space<hbm>>) target(%arg12 : memref<2x4x1024xf32, #tpu.memory_space<vmem>>) target_semaphore(%arg28 : memref<!tpu.dma_semaphore, #tpu.memory_space<semaphore_mem>>)
        %dma_start3A_441 = arith.constant 0 : i32
        %dma_start3A_442 = tpu.memref_slice %arg3[%add3A_434, %dma_start3A_441] : memref<8192x1024xf32, #tpu.memory_space<hbm>> -> memref<2x1024xf32, #tpu.memory_space<hbm>>
        %dma_start3A_443 = arith.constant 0 : i32
        %dma_start3A_444 = tpu.memref_slice %arg3[%add3A_434, %dma_start3A_443] : memref<8192x1024xf32, #tpu.memory_space<hbm>> -> memref<2x1024xf32, #tpu.memory_space<hbm>>
        tpu.enqueue_dma source(%dma_start3A_444 : memref<2x1024xf32, #tpu.memory_space<hbm>>) target(%arg20 : memref<2x1024xf32, #tpu.memory_space<vmem>>) target_semaphore(%arg36 : memref<!tpu.dma_semaphore, #tpu.memory_space<semaphore_mem>>)
      } else {
      }
      %dma_wait3A_224 = arith.constant 0 : i32
      %dma_wait3A_225 = arith.constant 0 : i32
      %dma_wait3A_226 = arith.constant 0 : i32
      %dma_wait3A_227 = tpu.memref_slice %arg2[%dma_wait3A_224, %dma_wait3A_225, %dma_wait3A_226] : memref<8192x4x1024xf32, #tpu.memory_space<hbm>> -> memref<2x4x1024xf32, #tpu.memory_space<hbm>>
      %dma_wait3A_228 = arith.constant 0 : i32
      %dma_wait3A_229 = arith.constant 0 : i32
      %dma_wait3A_230 = arith.constant 0 : i32
      %dma_wait3A_231 = tpu.memref_slice %arg2[%dma_wait3A_228, %dma_wait3A_229, %dma_wait3A_230] : memref<8192x4x1024xf32, #tpu.memory_space<hbm>> -> memref<2x4x1024xf32, #tpu.memory_space<hbm>>
      tpu.wait_dma2 semaphore(%arg24 : memref<!tpu.dma_semaphore, #tpu.memory_space<semaphore_mem>>) src(%dma_wait3A_231 : memref<2x4x1024xf32, #tpu.memory_space<hbm>>) dst(%arg8 : memref<2x4x1024xf32, #tpu.memory_space<vmem>>)
      %dma_wait3A_232 = arith.constant 0 : i32
      %dma_wait3A_233 = arith.constant 0 : i32
      %dma_wait3A_234 = tpu.memref_slice %arg3[%dma_wait3A_232, %dma_wait3A_233] : memref<8192x1024xf32, #tpu.memory_space<hbm>> -> memref<2x1024xf32, #tpu.memory_space<hbm>>
      %dma_wait3A_235 = arith.constant 0 : i32
      %dma_wait3A_236 = arith.constant 0 : i32
      %dma_wait3A_237 = tpu.memref_slice %arg3[%dma_wait3A_235, %dma_wait3A_236] : memref<8192x1024xf32, #tpu.memory_space<hbm>> -> memref<2x1024xf32, #tpu.memory_space<hbm>>
      tpu.wait_dma2 semaphore(%arg32 : memref<!tpu.dma_semaphore, #tpu.memory_space<semaphore_mem>>) src(%dma_wait3A_237 : memref<2x1024xf32, #tpu.memory_space<hbm>>) dst(%arg16 : memref<2x1024xf32, #tpu.memory_space<vmem>>)
      %parallel_loop3A_238 = arith.constant 0 : i32
      %parallel_loop3A_239 = arith.constant 128 : i32
      %parallel_loop3A_240 = arith.constant 1 : i32
      scf.for %parallel_loop3A_430 = %parallel_loop3A_238 to %parallel_loop3A_239 step %parallel_loop3A_240  : i32 {
        %parallel_loop3A_431 = arith.constant 64 : i32
        %parallel_loop3A_432 = arith.divsi %parallel_loop3A_430, %parallel_loop3A_431 : i32
        %parallel_loop3A_433 = arith.constant 0 : i32
        %parallel_loop3A_434 = arith.cmpi sgt, %parallel_loop3A_430, %parallel_loop3A_433 : i32
        %parallel_loop3A_435 = arith.extui %parallel_loop3A_434 : i1 to i32
        %parallel_loop3A_436 = arith.constant 0 : i32
        %parallel_loop3A_437 = arith.cmpi slt, %parallel_loop3A_430, %parallel_loop3A_436 : i32
        %parallel_loop3A_438 = arith.extui %parallel_loop3A_437 : i1 to i32
        %parallel_loop3A_439 = arith.subi %parallel_loop3A_435, %parallel_loop3A_438 : i32
        %parallel_loop3A_440 = arith.constant 0 : i32
        %parallel_loop3A_441 = arith.cmpi sgt, %parallel_loop3A_431, %parallel_loop3A_440 : i32
        %parallel_loop3A_442 = arith.extui %parallel_loop3A_441 : i1 to i32
        %parallel_loop3A_443 = arith.constant 0 : i32
        %parallel_loop3A_444 = arith.cmpi slt, %parallel_loop3A_431, %parallel_loop3A_443 : i32
        %parallel_loop3A_445 = arith.extui %parallel_loop3A_444 : i1 to i32
        %parallel_loop3A_446 = arith.subi %parallel_loop3A_442, %parallel_loop3A_445 : i32
        %parallel_loop3A_447 = arith.cmpi ne, %parallel_loop3A_439, %parallel_loop3A_446 : i32
        %parallel_loop3A_448 = arith.remsi %parallel_loop3A_430, %parallel_loop3A_431 : i32
        %parallel_loop3A_449 = arith.constant 0 : i32
        %parallel_loop3A_450 = arith.cmpi ne, %parallel_loop3A_448, %parallel_loop3A_449 : i32
        %parallel_loop3A_451 = arith.andi %parallel_loop3A_447, %parallel_loop3A_450 : i1
        %parallel_loop3A_452 = arith.constant 1 : i32
        %parallel_loop3A_453 = arith.subi %parallel_loop3A_432, %parallel_loop3A_452 : i32
        %parallel_loop3A_454 = arith.select %parallel_loop3A_451, %parallel_loop3A_453, %parallel_loop3A_432 : i32
        %parallel_loop3A_455 = arith.constant 64 : i32
        %parallel_loop3A_456 = arith.constant 0 : i32
        %parallel_loop3A_457 = arith.cmpi eq, %parallel_loop3A_455, %parallel_loop3A_456 : i32
        %parallel_loop3A_458 = arith.constant 1 : i32
        %parallel_loop3A_459 = arith.select %parallel_loop3A_457, %parallel_loop3A_458, %parallel_loop3A_455 : i32
        %parallel_loop3A_460 = arith.remsi %parallel_loop3A_430, %parallel_loop3A_459 : i32
        %parallel_loop3A_461 = arith.constant 0 : i32
        %parallel_loop3A_462 = arith.cmpi ne, %parallel_loop3A_460, %parallel_loop3A_461 : i32
        %parallel_loop3A_463 = arith.constant 0 : i32
        %parallel_loop3A_464 = arith.cmpi slt, %parallel_loop3A_460, %parallel_loop3A_463 : i32
        %parallel_loop3A_465 = arith.constant 0 : i32
        %parallel_loop3A_466 = arith.cmpi slt, %parallel_loop3A_459, %parallel_loop3A_465 : i32
        %parallel_loop3A_467 = arith.xori %parallel_loop3A_464, %parallel_loop3A_466 : i1
        %parallel_loop3A_468 = arith.andi %parallel_loop3A_467, %parallel_loop3A_462 : i1
        %parallel_loop3A_469 = arith.addi %parallel_loop3A_460, %parallel_loop3A_459 : i32
        %parallel_loop3A_470 = arith.select %parallel_loop3A_468, %parallel_loop3A_469, %parallel_loop3A_460 : i32
        %parallel_loop3A_471 = arith.constant 16 : i32
        %parallel_loop3A_472 = arith.muli %parallel_loop3A_470, %parallel_loop3A_471 : i32
        %parallel_loop3A_473 = arith.index_cast %parallel_loop3A_454 : i32 to index
        %parallel_loop3A_474 = arith.index_cast %parallel_loop3A_472 : i32 to index
        %parallel_loop3A_475 = tpu.vector_load %arg16[%parallel_loop3A_473, %parallel_loop3A_474] {strides = array<i32>} : memref<2x1024xf32, #tpu.memory_space<vmem>>, vector<1x16xf32>,
        %parallel_loop3A_476 = vector.shape_cast %parallel_loop3A_475 : vector<1x16xf32> to vector<16xf32>
        %parallel_loop3A_477 = arith.constant 0 : i32
        %parallel_loop3A_478 = arith.index_cast %parallel_loop3A_454 : i32 to index
        %parallel_loop3A_479 = arith.index_cast %parallel_loop3A_477 : i32 to index
        %parallel_loop3A_480 = arith.index_cast %parallel_loop3A_472 : i32 to index
        %parallel_loop3A_481 = tpu.vector_load %arg8[%parallel_loop3A_478, %parallel_loop3A_479, %parallel_loop3A_480] {strides = array<i32>} : memref<2x4x1024xf32, #tpu.memory_space<vmem>>, vector<1x1x16xf32>,
        %parallel_loop3A_482 = vector.shape_cast %parallel_loop3A_481 : vector<1x1x16xf32> to vector<16xf32>
        %parallel_loop3A_483 = vector.shape_cast %parallel_loop3A_476 : vector<16xf32> to vector<1x1x16xf32>
        tpu.vector_store %arg8[%parallel_loop3A_478, %parallel_loop3A_479, %parallel_loop3A_480], %parallel_loop3A_483 {add = true, strides = array<i32>} : memref<2x4x1024xf32, #tpu.memory_space<vmem>>, vector<1x1x16xf32>,
        %parallel_loop3A_484 = arith.constant 1 : i32
        %parallel_loop3A_485 = arith.index_cast %parallel_loop3A_454 : i32 to index
        %parallel_loop3A_486 = arith.index_cast %parallel_loop3A_484 : i32 to index
        %parallel_loop3A_487 = arith.index_cast %parallel_loop3A_472 : i32 to index
        %parallel_loop3A_488 = tpu.vector_load %arg8[%parallel_loop3A_485, %parallel_loop3A_486, %parallel_loop3A_487] {strides = array<i32>} : memref<2x4x1024xf32, #tpu.memory_space<vmem>>, vector<1x1x16xf32>,
        %parallel_loop3A_489 = vector.shape_cast %parallel_loop3A_488 : vector<1x1x16xf32> to vector<16xf32>
        %parallel_loop3A_490 = vector.shape_cast %parallel_loop3A_476 : vector<16xf32> to vector<1x1x16xf32>
        tpu.vector_store %arg8[%parallel_loop3A_485, %parallel_loop3A_486, %parallel_loop3A_487], %parallel_loop3A_490 {add = true, strides = array<i32>} : memref<2x4x1024xf32, #tpu.memory_space<vmem>>, vector<1x1x16xf32>,
        %parallel_loop3A_491 = arith.constant 2 : i32
        %parallel_loop3A_492 = arith.index_cast %parallel_loop3A_454 : i32 to index
        %parallel_loop3A_493 = arith.index_cast %parallel_loop3A_491 : i32 to index
        %parallel_loop3A_494 = arith.index_cast %parallel_loop3A_472 : i32 to index
        %parallel_loop3A_495 = tpu.vector_load %arg8[%parallel_loop3A_492, %parallel_loop3A_493, %parallel_loop3A_494] {strides = array<i32>} : memref<2x4x1024xf32, #tpu.memory_space<vmem>>, vector<1x1x16xf32>,
        %parallel_loop3A_496 = vector.shape_cast %parallel_loop3A_495 : vector<1x1x16xf32> to vector<16xf32>
        %parallel_loop3A_497 = vector.shape_cast %parallel_loop3A_476 : vector<16xf32> to vector<1x1x16xf32>
        tpu.vector_store %arg8[%parallel_loop3A_492, %parallel_loop3A_493, %parallel_loop3A_494], %parallel_loop3A_497 {add = true, strides = array<i32>} : memref<2x4x1024xf32, #tpu.memory_space<vmem>>, vector<1x1x16xf32>,
        %parallel_loop3A_498 = arith.constant 3 : i32
        %parallel_loop3A_499 = arith.index_cast %parallel_loop3A_454 : i32 to index
        %parallel_loop3A_500 = arith.index_cast %parallel_loop3A_498 : i32 to index
        %parallel_loop3A_501 = arith.index_cast %parallel_loop3A_472 : i32 to index
        %parallel_loop3A_502 = tpu.vector_load %arg8[%parallel_loop3A_499, %parallel_loop3A_500, %parallel_loop3A_501] {strides = array<i32>} : memref<2x4x1024xf32, #tpu.memory_space<vmem>>, vector<1x1x16xf32>,
        %parallel_loop3A_503 = vector.shape_cast %parallel_loop3A_502 : vector<1x1x16xf32> to vector<16xf32>
        %parallel_loop3A_504 = vector.shape_cast %parallel_loop3A_476 : vector<16xf32> to vector<1x1x16xf32>
        tpu.vector_store %arg8[%parallel_loop3A_499, %parallel_loop3A_500, %parallel_loop3A_501], %parallel_loop3A_504 {add = true, strides = array<i32>} : memref<2x4x1024xf32, #tpu.memory_space<vmem>>, vector<1x1x16xf32>,
      } {sc.loop_unroll_factor = 4 : i64, sc.parallel_access}
      %mul3A_241 = arith.constant 2 : i32
      %mul3A_242 = arith.muli %add3A_211, %mul3A_241 : i32
      %add3A_243 = arith.addi %mul3A_2, %mul3A_242 : i32
      %dma_start3A_244 = arith.constant 0 : i32
      %dma_start3A_245 = arith.constant 0 : i32
      %dma_start3A_246 = tpu.memref_slice %arg4[%add3A_243, %dma_start3A_244, %dma_start3A_245] : memref<8192x4x1024xf32, #tpu.memory_space<hbm>> -> memref<2x4x1024xf32, #tpu.memory_space<hbm>>
      %dma_start3A_247 = arith.constant 0 : i32
      %dma_start3A_248 = arith.constant 0 : i32
      %dma_start3A_249 = tpu.memref_slice %arg4[%add3A_243, %dma_start3A_247, %dma_start3A_248] : memref<8192x4x1024xf32, #tpu.memory_space<hbm>> -> memref<2x4x1024xf32, #tpu.memory_space<hbm>>
      tpu.enqueue_dma source(%arg8 : memref<2x4x1024xf32, #tpu.memory_space<vmem>>) target(%dma_start3A_249 : memref<2x4x1024xf32, #tpu.memory_space<hbm>>) target_semaphore(%arg40 : memref<!tpu.dma_semaphore, #tpu.memory_space<semaphore_mem>>)
      %mul3A_250 = arith.constant 8 : i32
      %mul3A_251 = arith.muli %scan3A_86, %mul3A_250 : i32
      %add3A_252 = arith.constant 4 : i32
      %add3A_253 = arith.addi %mul3A_251, %add3A_252 : i32
      %dma_wait3A_254 = arith.constant 0 : i32
      %dma_wait3A_255 = arith.constant 0 : i32
      %dma_wait3A_256 = arith.constant 0 : i32
      %dma_wait3A_257 = tpu.memref_slice %arg4[%dma_wait3A_254, %dma_wait3A_255, %dma_wait3A_256] : memref<8192x4x1024xf32, #tpu.memory_space<hbm>> -> memref<2x4x1024xf32, #tpu.memory_space<hbm>>
      %dma_wait3A_258 = arith.constant 0 : i32
      %dma_wait3A_259 = arith.constant 0 : i32
      %dma_wait3A_260 = arith.constant 0 : i32
      %dma_wait3A_261 = tpu.memref_slice %arg4[%dma_wait3A_258, %dma_wait3A_259, %dma_wait3A_260] : memref<8192x4x1024xf32, #tpu.memory_space<hbm>> -> memref<2x4x1024xf32, #tpu.memory_space<hbm>>
      tpu.wait_dma2 semaphore(%arg37 : memref<!tpu.dma_semaphore, #tpu.memory_space<semaphore_mem>>) src(%arg5 : memref<2x4x1024xf32, #tpu.memory_space<vmem>>) dst(%dma_wait3A_261 : memref<2x4x1024xf32, #tpu.memory_space<hbm>>)
      %add3A_262 = arith.constant 4 : i32
      %add3A_263 = arith.addi %add3A_253, %add3A_262 : i32
      %lt3A_264 = arith.constant 128 : i32
      %lt3A_265 = arith.cmpi slt, %add3A_263, %lt3A_264 : i32
      %convert_element_type3A_266 = arith.extui %lt3A_265 : i1 to i32
      %cond3A_267 = arith.constant 0 : i32
      %cond3A_268 = arith.cmpi ne, %convert_element_type3A_266, %cond3A_267 : i32
      scf.if %cond3A_268 {
        %add3A_430 = arith.constant 4 : i32
        %add3A_431 = arith.addi %add3A_253, %add3A_430 : i32
        %mul3A_432 = arith.constant 2 : i32
        %mul3A_433 = arith.muli %add3A_431, %mul3A_432 : i32
        %add3A_434 = arith.addi %mul3A_2, %mul3A_433 : i32
        %dma_start3A_435 = arith.constant 0 : i32
        %dma_start3A_436 = arith.constant 0 : i32
        %dma_start3A_437 = tpu.memref_slice %arg2[%add3A_434, %dma_start3A_435, %dma_start3A_436] : memref<8192x4x1024xf32, #tpu.memory_space<hbm>> -> memref<2x4x1024xf32, #tpu.memory_space<hbm>>
        %dma_start3A_438 = arith.constant 0 : i32
        %dma_start3A_439 = arith.constant 0 : i32
        %dma_start3A_440 = tpu.memref_slice %arg2[%add3A_434, %dma_start3A_438, %dma_start3A_439] : memref<8192x4x1024xf32, #tpu.memory_space<hbm>> -> memref<2x4x1024xf32, #tpu.memory_space<hbm>>
        tpu.enqueue_dma source(%dma_start3A_440 : memref<2x4x1024xf32, #tpu.memory_space<hbm>>) target(%arg5 : memref<2x4x1024xf32, #tpu.memory_space<vmem>>) target_semaphore(%arg21 : memref<!tpu.dma_semaphore, #tpu.memory_space<semaphore_mem>>)
        %dma_start3A_441 = arith.constant 0 : i32
        %dma_start3A_442 = tpu.memref_slice %arg3[%add3A_434, %dma_start3A_441] : memref<8192x1024xf32, #tpu.memory_space<hbm>> -> memref<2x1024xf32, #tpu.memory_space<hbm>>
        %dma_start3A_443 = arith.constant 0 : i32
        %dma_start3A_444 = tpu.memref_slice %arg3[%add3A_434, %dma_start3A_443] : memref<8192x1024xf32, #tpu.memory_space<hbm>> -> memref<2x1024xf32, #tpu.memory_space<hbm>>
        tpu.enqueue_dma source(%dma_start3A_444 : memref<2x1024xf32, #tpu.memory_space<hbm>>) target(%arg13 : memref<2x1024xf32, #tpu.memory_space<vmem>>) target_semaphore(%arg29 : memref<!tpu.dma_semaphore, #tpu.memory_space<semaphore_mem>>)
      } else {
      }
      %dma_wait3A_269 = arith.constant 0 : i32
      %dma_wait3A_270 = arith.constant 0 : i32
      %dma_wait3A_271 = arith.constant 0 : i32
      %dma_wait3A_272 = tpu.memref_slice %arg2[%dma_wait3A_269, %dma_wait3A_270, %dma_wait3A_271] : memref<8192x4x1024xf32, #tpu.memory_space<hbm>> -> memref<2x4x1024xf32, #tpu.memory_space<hbm>>
      %dma_wait3A_273 = arith.constant 0 : i32
      %dma_wait3A_274 = arith.constant 0 : i32
      %dma_wait3A_275 = arith.constant 0 : i32
      %dma_wait3A_276 = tpu.memref_slice %arg2[%dma_wait3A_273, %dma_wait3A_274, %dma_wait3A_275] : memref<8192x4x1024xf32, #tpu.memory_space<hbm>> -> memref<2x4x1024xf32, #tpu.memory_space<hbm>>
      tpu.wait_dma2 semaphore(%arg25 : memref<!tpu.dma_semaphore, #tpu.memory_space<semaphore_mem>>) src(%dma_wait3A_276 : memref<2x4x1024xf32, #tpu.memory_space<hbm>>) dst(%arg9 : memref<2x4x1024xf32, #tpu.memory_space<vmem>>)
      %dma_wait3A_277 = arith.constant 0 : i32
      %dma_wait3A_278 = arith.constant 0 : i32
      %dma_wait3A_279 = tpu.memref_slice %arg3[%dma_wait3A_277, %dma_wait3A_278] : memref<8192x1024xf32, #tpu.memory_space<hbm>> -> memref<2x1024xf32, #tpu.memory_space<hbm>>
      %dma_wait3A_280 = arith.constant 0 : i32
      %dma_wait3A_281 = arith.constant 0 : i32
      %dma_wait3A_282 = tpu.memref_slice %arg3[%dma_wait3A_280, %dma_wait3A_281] : memref<8192x1024xf32, #tpu.memory_space<hbm>> -> memref<2x1024xf32, #tpu.memory_space<hbm>>
      tpu.wait_dma2 semaphore(%arg33 : memref<!tpu.dma_semaphore, #tpu.memory_space<semaphore_mem>>) src(%dma_wait3A_282 : memref<2x1024xf32, #tpu.memory_space<hbm>>) dst(%arg17 : memref<2x1024xf32, #tpu.memory_space<vmem>>)
      %parallel_loop3A_283 = arith.constant 0 : i32
      %parallel_loop3A_284 = arith.constant 128 : i32
      %parallel_loop3A_285 = arith.constant 1 : i32
      scf.for %parallel_loop3A_430 = %parallel_loop3A_283 to %parallel_loop3A_284 step %parallel_loop3A_285  : i32 {
        %parallel_loop3A_431 = arith.constant 64 : i32
        %parallel_loop3A_432 = arith.divsi %parallel_loop3A_430, %parallel_loop3A_431 : i32
        %parallel_loop3A_433 = arith.constant 0 : i32
        %parallel_loop3A_434 = arith.cmpi sgt, %parallel_loop3A_430, %parallel_loop3A_433 : i32
        %parallel_loop3A_435 = arith.extui %parallel_loop3A_434 : i1 to i32
        %parallel_loop3A_436 = arith.constant 0 : i32
        %parallel_loop3A_437 = arith.cmpi slt, %parallel_loop3A_430, %parallel_loop3A_436 : i32
        %parallel_loop3A_438 = arith.extui %parallel_loop3A_437 : i1 to i32
        %parallel_loop3A_439 = arith.subi %parallel_loop3A_435, %parallel_loop3A_438 : i32
        %parallel_loop3A_440 = arith.constant 0 : i32
        %parallel_loop3A_441 = arith.cmpi sgt, %parallel_loop3A_431, %parallel_loop3A_440 : i32
        %parallel_loop3A_442 = arith.extui %parallel_loop3A_441 : i1 to i32
        %parallel_loop3A_443 = arith.constant 0 : i32
        %parallel_loop3A_444 = arith.cmpi slt, %parallel_loop3A_431, %parallel_loop3A_443 : i32
        %parallel_loop3A_445 = arith.extui %parallel_loop3A_444 : i1 to i32
        %parallel_loop3A_446 = arith.subi %parallel_loop3A_442, %parallel_loop3A_445 : i32
        %parallel_loop3A_447 = arith.cmpi ne, %parallel_loop3A_439, %parallel_loop3A_446 : i32
        %parallel_loop3A_448 = arith.remsi %parallel_loop3A_430, %parallel_loop3A_431 : i32
        %parallel_loop3A_449 = arith.constant 0 : i32
        %parallel_loop3A_450 = arith.cmpi ne, %parallel_loop3A_448, %parallel_loop3A_449 : i32
        %parallel_loop3A_451 = arith.andi %parallel_loop3A_447, %parallel_loop3A_450 : i1
        %parallel_loop3A_452 = arith.constant 1 : i32
        %parallel_loop3A_453 = arith.subi %parallel_loop3A_432, %parallel_loop3A_452 : i32
        %parallel_loop3A_454 = arith.select %parallel_loop3A_451, %parallel_loop3A_453, %parallel_loop3A_432 : i32
        %parallel_loop3A_455 = arith.constant 64 : i32
        %parallel_loop3A_456 = arith.constant 0 : i32
        %parallel_loop3A_457 = arith.cmpi eq, %parallel_loop3A_455, %parallel_loop3A_456 : i32
        %parallel_loop3A_458 = arith.constant 1 : i32
        %parallel_loop3A_459 = arith.select %parallel_loop3A_457, %parallel_loop3A_458, %parallel_loop3A_455 : i32
        %parallel_loop3A_460 = arith.remsi %parallel_loop3A_430, %parallel_loop3A_459 : i32
        %parallel_loop3A_461 = arith.constant 0 : i32
        %parallel_loop3A_462 = arith.cmpi ne, %parallel_loop3A_460, %parallel_loop3A_461 : i32
        %parallel_loop3A_463 = arith.constant 0 : i32
        %parallel_loop3A_464 = arith.cmpi slt, %parallel_loop3A_460, %parallel_loop3A_463 : i32
        %parallel_loop3A_465 = arith.constant 0 : i32
        %parallel_loop3A_466 = arith.cmpi slt, %parallel_loop3A_459, %parallel_loop3A_465 : i32
        %parallel_loop3A_467 = arith.xori %parallel_loop3A_464, %parallel_loop3A_466 : i1
        %parallel_loop3A_468 = arith.andi %parallel_loop3A_467, %parallel_loop3A_462 : i1
        %parallel_loop3A_469 = arith.addi %parallel_loop3A_460, %parallel_loop3A_459 : i32
        %parallel_loop3A_470 = arith.select %parallel_loop3A_468, %parallel_loop3A_469, %parallel_loop3A_460 : i32
        %parallel_loop3A_471 = arith.constant 16 : i32
        %parallel_loop3A_472 = arith.muli %parallel_loop3A_470, %parallel_loop3A_471 : i32
        %parallel_loop3A_473 = arith.index_cast %parallel_loop3A_454 : i32 to index
        %parallel_loop3A_474 = arith.index_cast %parallel_loop3A_472 : i32 to index
        %parallel_loop3A_475 = tpu.vector_load %arg17[%parallel_loop3A_473, %parallel_loop3A_474] {strides = array<i32>} : memref<2x1024xf32, #tpu.memory_space<vmem>>, vector<1x16xf32>,
        %parallel_loop3A_476 = vector.shape_cast %parallel_loop3A_475 : vector<1x16xf32> to vector<16xf32>
        %parallel_loop3A_477 = arith.constant 0 : i32
        %parallel_loop3A_478 = arith.index_cast %parallel_loop3A_454 : i32 to index
        %parallel_loop3A_479 = arith.index_cast %parallel_loop3A_477 : i32 to index
        %parallel_loop3A_480 = arith.index_cast %parallel_loop3A_472 : i32 to index
        %parallel_loop3A_481 = tpu.vector_load %arg9[%parallel_loop3A_478, %parallel_loop3A_479, %parallel_loop3A_480] {strides = array<i32>} : memref<2x4x1024xf32, #tpu.memory_space<vmem>>, vector<1x1x16xf32>,
        %parallel_loop3A_482 = vector.shape_cast %parallel_loop3A_481 : vector<1x1x16xf32> to vector<16xf32>
        %parallel_loop3A_483 = vector.shape_cast %parallel_loop3A_476 : vector<16xf32> to vector<1x1x16xf32>
        tpu.vector_store %arg9[%parallel_loop3A_478, %parallel_loop3A_479, %parallel_loop3A_480], %parallel_loop3A_483 {add = true, strides = array<i32>} : memref<2x4x1024xf32, #tpu.memory_space<vmem>>, vector<1x1x16xf32>,
        %parallel_loop3A_484 = arith.constant 1 : i32
        %parallel_loop3A_485 = arith.index_cast %parallel_loop3A_454 : i32 to index
        %parallel_loop3A_486 = arith.index_cast %parallel_loop3A_484 : i32 to index
        %parallel_loop3A_487 = arith.index_cast %parallel_loop3A_472 : i32 to index
        %parallel_loop3A_488 = tpu.vector_load %arg9[%parallel_loop3A_485, %parallel_loop3A_486, %parallel_loop3A_487] {strides = array<i32>} : memref<2x4x1024xf32, #tpu.memory_space<vmem>>, vector<1x1x16xf32>,
        %parallel_loop3A_489 = vector.shape_cast %parallel_loop3A_488 : vector<1x1x16xf32> to vector<16xf32>
        %parallel_loop3A_490 = vector.shape_cast %parallel_loop3A_476 : vector<16xf32> to vector<1x1x16xf32>
        tpu.vector_store %arg9[%parallel_loop3A_485, %parallel_loop3A_486, %parallel_loop3A_487], %parallel_loop3A_490 {add = true, strides = array<i32>} : memref<2x4x1024xf32, #tpu.memory_space<vmem>>, vector<1x1x16xf32>,
        %parallel_loop3A_491 = arith.constant 2 : i32
        %parallel_loop3A_492 = arith.index_cast %parallel_loop3A_454 : i32 to index
        %parallel_loop3A_493 = arith.index_cast %parallel_loop3A_491 : i32 to index
        %parallel_loop3A_494 = arith.index_cast %parallel_loop3A_472 : i32 to index
        %parallel_loop3A_495 = tpu.vector_load %arg9[%parallel_loop3A_492, %parallel_loop3A_493, %parallel_loop3A_494] {strides = array<i32>} : memref<2x4x1024xf32, #tpu.memory_space<vmem>>, vector<1x1x16xf32>,
        %parallel_loop3A_496 = vector.shape_cast %parallel_loop3A_495 : vector<1x1x16xf32> to vector<16xf32>
        %parallel_loop3A_497 = vector.shape_cast %parallel_loop3A_476 : vector<16xf32> to vector<1x1x16xf32>
        tpu.vector_store %arg9[%parallel_loop3A_492, %parallel_loop3A_493, %parallel_loop3A_494], %parallel_loop3A_497 {add = true, strides = array<i32>} : memref<2x4x1024xf32, #tpu.memory_space<vmem>>, vector<1x1x16xf32>,
        %parallel_loop3A_498 = arith.constant 3 : i32
        %parallel_loop3A_499 = arith.index_cast %parallel_loop3A_454 : i32 to index
        %parallel_loop3A_500 = arith.index_cast %parallel_loop3A_498 : i32 to index
        %parallel_loop3A_501 = arith.index_cast %parallel_loop3A_472 : i32 to index
        %parallel_loop3A_502 = tpu.vector_load %arg9[%parallel_loop3A_499, %parallel_loop3A_500, %parallel_loop3A_501] {strides = array<i32>} : memref<2x4x1024xf32, #tpu.memory_space<vmem>>, vector<1x1x16xf32>,
        %parallel_loop3A_503 = vector.shape_cast %parallel_loop3A_502 : vector<1x1x16xf32> to vector<16xf32>
        %parallel_loop3A_504 = vector.shape_cast %parallel_loop3A_476 : vector<16xf32> to vector<1x1x16xf32>
        tpu.vector_store %arg9[%parallel_loop3A_499, %parallel_loop3A_500, %parallel_loop3A_501], %parallel_loop3A_504 {add = true, strides = array<i32>} : memref<2x4x1024xf32, #tpu.memory_space<vmem>>, vector<1x1x16xf32>,
      } {sc.loop_unroll_factor = 4 : i64, sc.parallel_access}
      %mul3A_286 = arith.constant 2 : i32
      %mul3A_287 = arith.muli %add3A_253, %mul3A_286 : i32
      %add3A_288 = arith.addi %mul3A_2, %mul3A_287 : i32
      %dma_start3A_289 = arith.constant 0 : i32
      %dma_start3A_290 = arith.constant 0 : i32
      %dma_start3A_291 = tpu.memref_slice %arg4[%add3A_288, %dma_start3A_289, %dma_start3A_290] : memref<8192x4x1024xf32, #tpu.memory_space<hbm>> -> memref<2x4x1024xf32, #tpu.memory_space<hbm>>
      %dma_start3A_292 = arith.constant 0 : i32
      %dma_start3A_293 = arith.constant 0 : i32
      %dma_start3A_294 = tpu.memref_slice %arg4[%add3A_288, %dma_start3A_292, %dma_start3A_293] : memref<8192x4x1024xf32, #tpu.memory_space<hbm>> -> memref<2x4x1024xf32, #tpu.memory_space<hbm>>
      tpu.enqueue_dma source(%arg9 : memref<2x4x1024xf32, #tpu.memory_space<vmem>>) target(%dma_start3A_294 : memref<2x4x1024xf32, #tpu.memory_space<hbm>>) target_semaphore(%arg41 : memref<!tpu.dma_semaphore, #tpu.memory_space<semaphore_mem>>)
      %mul3A_295 = arith.constant 8 : i32
      %mul3A_296 = arith.muli %scan3A_86, %mul3A_295 : i32
      %add3A_297 = arith.constant 5 : i32
      %add3A_298 = arith.addi %mul3A_296, %add3A_297 : i32
      %dma_wait3A_299 = arith.constant 0 : i32
      %dma_wait3A_300 = arith.constant 0 : i32
      %dma_wait3A_301 = arith.constant 0 : i32
      %dma_wait3A_302 = tpu.memref_slice %arg4[%dma_wait3A_299, %dma_wait3A_300, %dma_wait3A_301] : memref<8192x4x1024xf32, #tpu.memory_space<hbm>> -> memref<2x4x1024xf32, #tpu.memory_space<hbm>>
      %dma_wait3A_303 = arith.constant 0 : i32
      %dma_wait3A_304 = arith.constant 0 : i32
      %dma_wait3A_305 = arith.constant 0 : i32
      %dma_wait3A_306 = tpu.memref_slice %arg4[%dma_wait3A_303, %dma_wait3A_304, %dma_wait3A_305] : memref<8192x4x1024xf32, #tpu.memory_space<hbm>> -> memref<2x4x1024xf32, #tpu.memory_space<hbm>>
      tpu.wait_dma2 semaphore(%arg38 : memref<!tpu.dma_semaphore, #tpu.memory_space<semaphore_mem>>) src(%arg6 : memref<2x4x1024xf32, #tpu.memory_space<vmem>>) dst(%dma_wait3A_306 : memref<2x4x1024xf32, #tpu.memory_space<hbm>>)
      %add3A_307 = arith.constant 4 : i32
      %add3A_308 = arith.addi %add3A_298, %add3A_307 : i32
      %lt3A_309 = arith.constant 128 : i32
      %lt3A_310 = arith.cmpi slt, %add3A_308, %lt3A_309 : i32
      %convert_element_type3A_311 = arith.extui %lt3A_310 : i1 to i32
      %cond3A_312 = arith.constant 0 : i32
      %cond3A_313 = arith.cmpi ne, %convert_element_type3A_311, %cond3A_312 : i32
      scf.if %cond3A_313 {
        %add3A_430 = arith.constant 4 : i32
        %add3A_431 = arith.addi %add3A_298, %add3A_430 : i32
        %mul3A_432 = arith.constant 2 : i32
        %mul3A_433 = arith.muli %add3A_431, %mul3A_432 : i32
        %add3A_434 = arith.addi %mul3A_2, %mul3A_433 : i32
        %dma_start3A_435 = arith.constant 0 : i32
        %dma_start3A_436 = arith.constant 0 : i32
        %dma_start3A_437 = tpu.memref_slice %arg2[%add3A_434, %dma_start3A_435, %dma_start3A_436] : memref<8192x4x1024xf32, #tpu.memory_space<hbm>> -> memref<2x4x1024xf32, #tpu.memory_space<hbm>>
        %dma_start3A_438 = arith.constant 0 : i32
        %dma_start3A_439 = arith.constant 0 : i32
        %dma_start3A_440 = tpu.memref_slice %arg2[%add3A_434, %dma_start3A_438, %dma_start3A_439] : memref<8192x4x1024xf32, #tpu.memory_space<hbm>> -> memref<2x4x1024xf32, #tpu.memory_space<hbm>>
        tpu.enqueue_dma source(%dma_start3A_440 : memref<2x4x1024xf32, #tpu.memory_space<hbm>>) target(%arg6 : memref<2x4x1024xf32, #tpu.memory_space<vmem>>) target_semaphore(%arg22 : memref<!tpu.dma_semaphore, #tpu.memory_space<semaphore_mem>>)
        %dma_start3A_441 = arith.constant 0 : i32
        %dma_start3A_442 = tpu.memref_slice %arg3[%add3A_434, %dma_start3A_441] : memref<8192x1024xf32, #tpu.memory_space<hbm>> -> memref<2x1024xf32, #tpu.memory_space<hbm>>
        %dma_start3A_443 = arith.constant 0 : i32
        %dma_start3A_444 = tpu.memref_slice %arg3[%add3A_434, %dma_start3A_443] : memref<8192x1024xf32, #tpu.memory_space<hbm>> -> memref<2x1024xf32, #tpu.memory_space<hbm>>
        tpu.enqueue_dma source(%dma_start3A_444 : memref<2x1024xf32, #tpu.memory_space<hbm>>) target(%arg14 : memref<2x1024xf32, #tpu.memory_space<vmem>>) target_semaphore(%arg30 : memref<!tpu.dma_semaphore, #tpu.memory_space<semaphore_mem>>)
      } else {
      }
      %dma_wait3A_314 = arith.constant 0 : i32
      %dma_wait3A_315 = arith.constant 0 : i32
      %dma_wait3A_316 = arith.constant 0 : i32
      %dma_wait3A_317 = tpu.memref_slice %arg2[%dma_wait3A_314, %dma_wait3A_315, %dma_wait3A_316] : memref<8192x4x1024xf32, #tpu.memory_space<hbm>> -> memref<2x4x1024xf32, #tpu.memory_space<hbm>>
      %dma_wait3A_318 = arith.constant 0 : i32
      %dma_wait3A_319 = arith.constant 0 : i32
      %dma_wait3A_320 = arith.constant 0 : i32
      %dma_wait3A_321 = tpu.memref_slice %arg2[%dma_wait3A_318, %dma_wait3A_319, %dma_wait3A_320] : memref<8192x4x1024xf32, #tpu.memory_space<hbm>> -> memref<2x4x1024xf32, #tpu.memory_space<hbm>>
      tpu.wait_dma2 semaphore(%arg26 : memref<!tpu.dma_semaphore, #tpu.memory_space<semaphore_mem>>) src(%dma_wait3A_321 : memref<2x4x1024xf32, #tpu.memory_space<hbm>>) dst(%arg10 : memref<2x4x1024xf32, #tpu.memory_space<vmem>>)
      %dma_wait3A_322 = arith.constant 0 : i32
      %dma_wait3A_323 = arith.constant 0 : i32
      %dma_wait3A_324 = tpu.memref_slice %arg3[%dma_wait3A_322, %dma_wait3A_323] : memref<8192x1024xf32, #tpu.memory_space<hbm>> -> memref<2x1024xf32, #tpu.memory_space<hbm>>
      %dma_wait3A_325 = arith.constant 0 : i32
      %dma_wait3A_326 = arith.constant 0 : i32
      %dma_wait3A_327 = tpu.memref_slice %arg3[%dma_wait3A_325, %dma_wait3A_326] : memref<8192x1024xf32, #tpu.memory_space<hbm>> -> memref<2x1024xf32, #tpu.memory_space<hbm>>
      tpu.wait_dma2 semaphore(%arg34 : memref<!tpu.dma_semaphore, #tpu.memory_space<semaphore_mem>>) src(%dma_wait3A_327 : memref<2x1024xf32, #tpu.memory_space<hbm>>) dst(%arg18 : memref<2x1024xf32, #tpu.memory_space<vmem>>)
      %parallel_loop3A_328 = arith.constant 0 : i32
      %parallel_loop3A_329 = arith.constant 128 : i32
      %parallel_loop3A_330 = arith.constant 1 : i32
      scf.for %parallel_loop3A_430 = %parallel_loop3A_328 to %parallel_loop3A_329 step %parallel_loop3A_330  : i32 {
        %parallel_loop3A_431 = arith.constant 64 : i32
        %parallel_loop3A_432 = arith.divsi %parallel_loop3A_430, %parallel_loop3A_431 : i32
        %parallel_loop3A_433 = arith.constant 0 : i32
        %parallel_loop3A_434 = arith.cmpi sgt, %parallel_loop3A_430, %parallel_loop3A_433 : i32
        %parallel_loop3A_435 = arith.extui %parallel_loop3A_434 : i1 to i32
        %parallel_loop3A_436 = arith.constant 0 : i32
        %parallel_loop3A_437 = arith.cmpi slt, %parallel_loop3A_430, %parallel_loop3A_436 : i32
        %parallel_loop3A_438 = arith.extui %parallel_loop3A_437 : i1 to i32
        %parallel_loop3A_439 = arith.subi %parallel_loop3A_435, %parallel_loop3A_438 : i32
        %parallel_loop3A_440 = arith.constant 0 : i32
        %parallel_loop3A_441 = arith.cmpi sgt, %parallel_loop3A_431, %parallel_loop3A_440 : i32
        %parallel_loop3A_442 = arith.extui %parallel_loop3A_441 : i1 to i32
        %parallel_loop3A_443 = arith.constant 0 : i32
        %parallel_loop3A_444 = arith.cmpi slt, %parallel_loop3A_431, %parallel_loop3A_443 : i32
        %parallel_loop3A_445 = arith.extui %parallel_loop3A_444 : i1 to i32
        %parallel_loop3A_446 = arith.subi %parallel_loop3A_442, %parallel_loop3A_445 : i32
        %parallel_loop3A_447 = arith.cmpi ne, %parallel_loop3A_439, %parallel_loop3A_446 : i32
        %parallel_loop3A_448 = arith.remsi %parallel_loop3A_430, %parallel_loop3A_431 : i32
        %parallel_loop3A_449 = arith.constant 0 : i32
        %parallel_loop3A_450 = arith.cmpi ne, %parallel_loop3A_448, %parallel_loop3A_449 : i32
        %parallel_loop3A_451 = arith.andi %parallel_loop3A_447, %parallel_loop3A_450 : i1
        %parallel_loop3A_452 = arith.constant 1 : i32
        %parallel_loop3A_453 = arith.subi %parallel_loop3A_432, %parallel_loop3A_452 : i32
        %parallel_loop3A_454 = arith.select %parallel_loop3A_451, %parallel_loop3A_453, %parallel_loop3A_432 : i32
        %parallel_loop3A_455 = arith.constant 64 : i32
        %parallel_loop3A_456 = arith.constant 0 : i32
        %parallel_loop3A_457 = arith.cmpi eq, %parallel_loop3A_455, %parallel_loop3A_456 : i32
        %parallel_loop3A_458 = arith.constant 1 : i32
        %parallel_loop3A_459 = arith.select %parallel_loop3A_457, %parallel_loop3A_458, %parallel_loop3A_455 : i32
        %parallel_loop3A_460 = arith.remsi %parallel_loop3A_430, %parallel_loop3A_459 : i32
        %parallel_loop3A_461 = arith.constant 0 : i32
        %parallel_loop3A_462 = arith.cmpi ne, %parallel_loop3A_460, %parallel_loop3A_461 : i32
        %parallel_loop3A_463 = arith.constant 0 : i32
        %parallel_loop3A_464 = arith.cmpi slt, %parallel_loop3A_460, %parallel_loop3A_463 : i32
        %parallel_loop3A_465 = arith.constant 0 : i32
        %parallel_loop3A_466 = arith.cmpi slt, %parallel_loop3A_459, %parallel_loop3A_465 : i32
        %parallel_loop3A_467 = arith.xori %parallel_loop3A_464, %parallel_loop3A_466 : i1
        %parallel_loop3A_468 = arith.andi %parallel_loop3A_467, %parallel_loop3A_462 : i1
        %parallel_loop3A_469 = arith.addi %parallel_loop3A_460, %parallel_loop3A_459 : i32
        %parallel_loop3A_470 = arith.select %parallel_loop3A_468, %parallel_loop3A_469, %parallel_loop3A_460 : i32
        %parallel_loop3A_471 = arith.constant 16 : i32
        %parallel_loop3A_472 = arith.muli %parallel_loop3A_470, %parallel_loop3A_471 : i32
        %parallel_loop3A_473 = arith.index_cast %parallel_loop3A_454 : i32 to index
        %parallel_loop3A_474 = arith.index_cast %parallel_loop3A_472 : i32 to index
        %parallel_loop3A_475 = tpu.vector_load %arg18[%parallel_loop3A_473, %parallel_loop3A_474] {strides = array<i32>} : memref<2x1024xf32, #tpu.memory_space<vmem>>, vector<1x16xf32>,
        %parallel_loop3A_476 = vector.shape_cast %parallel_loop3A_475 : vector<1x16xf32> to vector<16xf32>
        %parallel_loop3A_477 = arith.constant 0 : i32
        %parallel_loop3A_478 = arith.index_cast %parallel_loop3A_454 : i32 to index
        %parallel_loop3A_479 = arith.index_cast %parallel_loop3A_477 : i32 to index
        %parallel_loop3A_480 = arith.index_cast %parallel_loop3A_472 : i32 to index
        %parallel_loop3A_481 = tpu.vector_load %arg10[%parallel_loop3A_478, %parallel_loop3A_479, %parallel_loop3A_480] {strides = array<i32>} : memref<2x4x1024xf32, #tpu.memory_space<vmem>>, vector<1x1x16xf32>,
        %parallel_loop3A_482 = vector.shape_cast %parallel_loop3A_481 : vector<1x1x16xf32> to vector<16xf32>
        %parallel_loop3A_483 = vector.shape_cast %parallel_loop3A_476 : vector<16xf32> to vector<1x1x16xf32>
        tpu.vector_store %arg10[%parallel_loop3A_478, %parallel_loop3A_479, %parallel_loop3A_480], %parallel_loop3A_483 {add = true, strides = array<i32>} : memref<2x4x1024xf32, #tpu.memory_space<vmem>>, vector<1x1x16xf32>,
        %parallel_loop3A_484 = arith.constant 1 : i32
        %parallel_loop3A_485 = arith.index_cast %parallel_loop3A_454 : i32 to index
        %parallel_loop3A_486 = arith.index_cast %parallel_loop3A_484 : i32 to index
        %parallel_loop3A_487 = arith.index_cast %parallel_loop3A_472 : i32 to index
        %parallel_loop3A_488 = tpu.vector_load %arg10[%parallel_loop3A_485, %parallel_loop3A_486, %parallel_loop3A_487] {strides = array<i32>} : memref<2x4x1024xf32, #tpu.memory_space<vmem>>, vector<1x1x16xf32>,
        %parallel_loop3A_489 = vector.shape_cast %parallel_loop3A_488 : vector<1x1x16xf32> to vector<16xf32>
        %parallel_loop3A_490 = vector.shape_cast %parallel_loop3A_476 : vector<16xf32> to vector<1x1x16xf32>
        tpu.vector_store %arg10[%parallel_loop3A_485, %parallel_loop3A_486, %parallel_loop3A_487], %parallel_loop3A_490 {add = true, strides = array<i32>} : memref<2x4x1024xf32, #tpu.memory_space<vmem>>, vector<1x1x16xf32>,
        %parallel_loop3A_491 = arith.constant 2 : i32
        %parallel_loop3A_492 = arith.index_cast %parallel_loop3A_454 : i32 to index
        %parallel_loop3A_493 = arith.index_cast %parallel_loop3A_491 : i32 to index
        %parallel_loop3A_494 = arith.index_cast %parallel_loop3A_472 : i32 to index
        %parallel_loop3A_495 = tpu.vector_load %arg10[%parallel_loop3A_492, %parallel_loop3A_493, %parallel_loop3A_494] {strides = array<i32>} : memref<2x4x1024xf32, #tpu.memory_space<vmem>>, vector<1x1x16xf32>,
        %parallel_loop3A_496 = vector.shape_cast %parallel_loop3A_495 : vector<1x1x16xf32> to vector<16xf32>
        %parallel_loop3A_497 = vector.shape_cast %parallel_loop3A_476 : vector<16xf32> to vector<1x1x16xf32>
        tpu.vector_store %arg10[%parallel_loop3A_492, %parallel_loop3A_493, %parallel_loop3A_494], %parallel_loop3A_497 {add = true, strides = array<i32>} : memref<2x4x1024xf32, #tpu.memory_space<vmem>>, vector<1x1x16xf32>,
        %parallel_loop3A_498 = arith.constant 3 : i32
        %parallel_loop3A_499 = arith.index_cast %parallel_loop3A_454 : i32 to index
        %parallel_loop3A_500 = arith.index_cast %parallel_loop3A_498 : i32 to index
        %parallel_loop3A_501 = arith.index_cast %parallel_loop3A_472 : i32 to index
        %parallel_loop3A_502 = tpu.vector_load %arg10[%parallel_loop3A_499, %parallel_loop3A_500, %parallel_loop3A_501] {strides = array<i32>} : memref<2x4x1024xf32, #tpu.memory_space<vmem>>, vector<1x1x16xf32>,
        %parallel_loop3A_503 = vector.shape_cast %parallel_loop3A_502 : vector<1x1x16xf32> to vector<16xf32>
        %parallel_loop3A_504 = vector.shape_cast %parallel_loop3A_476 : vector<16xf32> to vector<1x1x16xf32>
        tpu.vector_store %arg10[%parallel_loop3A_499, %parallel_loop3A_500, %parallel_loop3A_501], %parallel_loop3A_504 {add = true, strides = array<i32>} : memref<2x4x1024xf32, #tpu.memory_space<vmem>>, vector<1x1x16xf32>,
      } {sc.loop_unroll_factor = 4 : i64, sc.parallel_access}
      %mul3A_331 = arith.constant 2 : i32
      %mul3A_332 = arith.muli %add3A_298, %mul3A_331 : i32
      %add3A_333 = arith.addi %mul3A_2, %mul3A_332 : i32
      %dma_start3A_334 = arith.constant 0 : i32
      %dma_start3A_335 = arith.constant 0 : i32
      %dma_start3A_336 = tpu.memref_slice %arg4[%add3A_333, %dma_start3A_334, %dma_start3A_335] : memref<8192x4x1024xf32, #tpu.memory_space<hbm>> -> memref<2x4x1024xf32, #tpu.memory_space<hbm>>
      %dma_start3A_337 = arith.constant 0 : i32
      %dma_start3A_338 = arith.constant 0 : i32
      %dma_start3A_339 = tpu.memref_slice %arg4[%add3A_333, %dma_start3A_337, %dma_start3A_338] : memref<8192x4x1024xf32, #tpu.memory_space<hbm>> -> memref<2x4x1024xf32, #tpu.memory_space<hbm>>
      tpu.enqueue_dma source(%arg10 : memref<2x4x1024xf32, #tpu.memory_space<vmem>>) target(%dma_start3A_339 : memref<2x4x1024xf32, #tpu.memory_space<hbm>>) target_semaphore(%arg42 : memref<!tpu.dma_semaphore, #tpu.memory_space<semaphore_mem>>)
      %mul3A_340 = arith.constant 8 : i32
      %mul3A_341 = arith.muli %scan3A_86, %mul3A_340 : i32
      %add3A_342 = arith.constant 6 : i32
      %add3A_343 = arith.addi %mul3A_341, %add3A_342 : i32
      %dma_wait3A_344 = arith.constant 0 : i32
      %dma_wait3A_345 = arith.constant 0 : i32
      %dma_wait3A_346 = arith.constant 0 : i32
      %dma_wait3A_347 = tpu.memref_slice %arg4[%dma_wait3A_344, %dma_wait3A_345, %dma_wait3A_346] : memref<8192x4x1024xf32, #tpu.memory_space<hbm>> -> memref<2x4x1024xf32, #tpu.memory_space<hbm>>
      %dma_wait3A_348 = arith.constant 0 : i32
      %dma_wait3A_349 = arith.constant 0 : i32
      %dma_wait3A_350 = arith.constant 0 : i32
      %dma_wait3A_351 = tpu.memref_slice %arg4[%dma_wait3A_348, %dma_wait3A_349, %dma_wait3A_350] : memref<8192x4x1024xf32, #tpu.memory_space<hbm>> -> memref<2x4x1024xf32, #tpu.memory_space<hbm>>
      tpu.wait_dma2 semaphore(%arg39 : memref<!tpu.dma_semaphore, #tpu.memory_space<semaphore_mem>>) src(%arg7 : memref<2x4x1024xf32, #tpu.memory_space<vmem>>) dst(%dma_wait3A_351 : memref<2x4x1024xf32, #tpu.memory_space<hbm>>)
      %add3A_352 = arith.constant 4 : i32
      %add3A_353 = arith.addi %add3A_343, %add3A_352 : i32
      %lt3A_354 = arith.constant 128 : i32
      %lt3A_355 = arith.cmpi slt, %add3A_353, %lt3A_354 : i32
      %convert_element_type3A_356 = arith.extui %lt3A_355 : i1 to i32
      %cond3A_357 = arith.constant 0 : i32
      %cond3A_358 = arith.cmpi ne, %convert_element_type3A_356, %cond3A_357 : i32
      scf.if %cond3A_358 {
        %add3A_430 = arith.constant 4 : i32
        %add3A_431 = arith.addi %add3A_343, %add3A_430 : i32
        %mul3A_432 = arith.constant 2 : i32
        %mul3A_433 = arith.muli %add3A_431, %mul3A_432 : i32
        %add3A_434 = arith.addi %mul3A_2, %mul3A_433 : i32
        %dma_start3A_435 = arith.constant 0 : i32
        %dma_start3A_436 = arith.constant 0 : i32
        %dma_start3A_437 = tpu.memref_slice %arg2[%add3A_434, %dma_start3A_435, %dma_start3A_436] : memref<8192x4x1024xf32, #tpu.memory_space<hbm>> -> memref<2x4x1024xf32, #tpu.memory_space<hbm>>
        %dma_start3A_438 = arith.constant 0 : i32
        %dma_start3A_439 = arith.constant 0 : i32
        %dma_start3A_440 = tpu.memref_slice %arg2[%add3A_434, %dma_start3A_438, %dma_start3A_439] : memref<8192x4x1024xf32, #tpu.memory_space<hbm>> -> memref<2x4x1024xf32, #tpu.memory_space<hbm>>
        tpu.enqueue_dma source(%dma_start3A_440 : memref<2x4x1024xf32, #tpu.memory_space<hbm>>) target(%arg7 : memref<2x4x1024xf32, #tpu.memory_space<vmem>>) target_semaphore(%arg23 : memref<!tpu.dma_semaphore, #tpu.memory_space<semaphore_mem>>)
        %dma_start3A_441 = arith.constant 0 : i32
        %dma_start3A_442 = tpu.memref_slice %arg3[%add3A_434, %dma_start3A_441] : memref<8192x1024xf32, #tpu.memory_space<hbm>> -> memref<2x1024xf32, #tpu.memory_space<hbm>>
        %dma_start3A_443 = arith.constant 0 : i32
        %dma_start3A_444 = tpu.memref_slice %arg3[%add3A_434, %dma_start3A_443] : memref<8192x1024xf32, #tpu.memory_space<hbm>> -> memref<2x1024xf32, #tpu.memory_space<hbm>>
        tpu.enqueue_dma source(%dma_start3A_444 : memref<2x1024xf32, #tpu.memory_space<hbm>>) target(%arg15 : memref<2x1024xf32, #tpu.memory_space<vmem>>) target_semaphore(%arg31 : memref<!tpu.dma_semaphore, #tpu.memory_space<semaphore_mem>>)
      } else {
      }
      %dma_wait3A_359 = arith.constant 0 : i32
      %dma_wait3A_360 = arith.constant 0 : i32
      %dma_wait3A_361 = arith.constant 0 : i32
      %dma_wait3A_362 = tpu.memref_slice %arg2[%dma_wait3A_359, %dma_wait3A_360, %dma_wait3A_361] : memref<8192x4x1024xf32, #tpu.memory_space<hbm>> -> memref<2x4x1024xf32, #tpu.memory_space<hbm>>
      %dma_wait3A_363 = arith.constant 0 : i32
      %dma_wait3A_364 = arith.constant 0 : i32
      %dma_wait3A_365 = arith.constant 0 : i32
      %dma_wait3A_366 = tpu.memref_slice %arg2[%dma_wait3A_363, %dma_wait3A_364, %dma_wait3A_365] : memref<8192x4x1024xf32, #tpu.memory_space<hbm>> -> memref<2x4x1024xf32, #tpu.memory_space<hbm>>
      tpu.wait_dma2 semaphore(%arg27 : memref<!tpu.dma_semaphore, #tpu.memory_space<semaphore_mem>>) src(%dma_wait3A_366 : memref<2x4x1024xf32, #tpu.memory_space<hbm>>) dst(%arg11 : memref<2x4x1024xf32, #tpu.memory_space<vmem>>)
      %dma_wait3A_367 = arith.constant 0 : i32
      %dma_wait3A_368 = arith.constant 0 : i32
      %dma_wait3A_369 = tpu.memref_slice %arg3[%dma_wait3A_367, %dma_wait3A_368] : memref<8192x1024xf32, #tpu.memory_space<hbm>> -> memref<2x1024xf32, #tpu.memory_space<hbm>>
      %dma_wait3A_370 = arith.constant 0 : i32
      %dma_wait3A_371 = arith.constant 0 : i32
      %dma_wait3A_372 = tpu.memref_slice %arg3[%dma_wait3A_370, %dma_wait3A_371] : memref<8192x1024xf32, #tpu.memory_space<hbm>> -> memref<2x1024xf32, #tpu.memory_space<hbm>>
      tpu.wait_dma2 semaphore(%arg35 : memref<!tpu.dma_semaphore, #tpu.memory_space<semaphore_mem>>) src(%dma_wait3A_372 : memref<2x1024xf32, #tpu.memory_space<hbm>>) dst(%arg19 : memref<2x1024xf32, #tpu.memory_space<vmem>>)
      %parallel_loop3A_373 = arith.constant 0 : i32
      %parallel_loop3A_374 = arith.constant 128 : i32
      %parallel_loop3A_375 = arith.constant 1 : i32
      scf.for %parallel_loop3A_430 = %parallel_loop3A_373 to %parallel_loop3A_374 step %parallel_loop3A_375  : i32 {
        %parallel_loop3A_431 = arith.constant 64 : i32
        %parallel_loop3A_432 = arith.divsi %parallel_loop3A_430, %parallel_loop3A_431 : i32
        %parallel_loop3A_433 = arith.constant 0 : i32
        %parallel_loop3A_434 = arith.cmpi sgt, %parallel_loop3A_430, %parallel_loop3A_433 : i32
        %parallel_loop3A_435 = arith.extui %parallel_loop3A_434 : i1 to i32
        %parallel_loop3A_436 = arith.constant 0 : i32
        %parallel_loop3A_437 = arith.cmpi slt, %parallel_loop3A_430, %parallel_loop3A_436 : i32
        %parallel_loop3A_438 = arith.extui %parallel_loop3A_437 : i1 to i32
        %parallel_loop3A_439 = arith.subi %parallel_loop3A_435, %parallel_loop3A_438 : i32
        %parallel_loop3A_440 = arith.constant 0 : i32
        %parallel_loop3A_441 = arith.cmpi sgt, %parallel_loop3A_431, %parallel_loop3A_440 : i32
        %parallel_loop3A_442 = arith.extui %parallel_loop3A_441 : i1 to i32
        %parallel_loop3A_443 = arith.constant 0 : i32
        %parallel_loop3A_444 = arith.cmpi slt, %parallel_loop3A_431, %parallel_loop3A_443 : i32
        %parallel_loop3A_445 = arith.extui %parallel_loop3A_444 : i1 to i32
        %parallel_loop3A_446 = arith.subi %parallel_loop3A_442, %parallel_loop3A_445 : i32
        %parallel_loop3A_447 = arith.cmpi ne, %parallel_loop3A_439, %parallel_loop3A_446 : i32
        %parallel_loop3A_448 = arith.remsi %parallel_loop3A_430, %parallel_loop3A_431 : i32
        %parallel_loop3A_449 = arith.constant 0 : i32
        %parallel_loop3A_450 = arith.cmpi ne, %parallel_loop3A_448, %parallel_loop3A_449 : i32
        %parallel_loop3A_451 = arith.andi %parallel_loop3A_447, %parallel_loop3A_450 : i1
        %parallel_loop3A_452 = arith.constant 1 : i32
        %parallel_loop3A_453 = arith.subi %parallel_loop3A_432, %parallel_loop3A_452 : i32
        %parallel_loop3A_454 = arith.select %parallel_loop3A_451, %parallel_loop3A_453, %parallel_loop3A_432 : i32
        %parallel_loop3A_455 = arith.constant 64 : i32
        %parallel_loop3A_456 = arith.constant 0 : i32
        %parallel_loop3A_457 = arith.cmpi eq, %parallel_loop3A_455, %parallel_loop3A_456 : i32
        %parallel_loop3A_458 = arith.constant 1 : i32
        %parallel_loop3A_459 = arith.select %parallel_loop3A_457, %parallel_loop3A_458, %parallel_loop3A_455 : i32
        %parallel_loop3A_460 = arith.remsi %parallel_loop3A_430, %parallel_loop3A_459 : i32
        %parallel_loop3A_461 = arith.constant 0 : i32
        %parallel_loop3A_462 = arith.cmpi ne, %parallel_loop3A_460, %parallel_loop3A_461 : i32
        %parallel_loop3A_463 = arith.constant 0 : i32
        %parallel_loop3A_464 = arith.cmpi slt, %parallel_loop3A_460, %parallel_loop3A_463 : i32
        %parallel_loop3A_465 = arith.constant 0 : i32
        %parallel_loop3A_466 = arith.cmpi slt, %parallel_loop3A_459, %parallel_loop3A_465 : i32
        %parallel_loop3A_467 = arith.xori %parallel_loop3A_464, %parallel_loop3A_466 : i1
        %parallel_loop3A_468 = arith.andi %parallel_loop3A_467, %parallel_loop3A_462 : i1
        %parallel_loop3A_469 = arith.addi %parallel_loop3A_460, %parallel_loop3A_459 : i32
        %parallel_loop3A_470 = arith.select %parallel_loop3A_468, %parallel_loop3A_469, %parallel_loop3A_460 : i32
        %parallel_loop3A_471 = arith.constant 16 : i32
        %parallel_loop3A_472 = arith.muli %parallel_loop3A_470, %parallel_loop3A_471 : i32
        %parallel_loop3A_473 = arith.index_cast %parallel_loop3A_454 : i32 to index
        %parallel_loop3A_474 = arith.index_cast %parallel_loop3A_472 : i32 to index
        %parallel_loop3A_475 = tpu.vector_load %arg19[%parallel_loop3A_473, %parallel_loop3A_474] {strides = array<i32>} : memref<2x1024xf32, #tpu.memory_space<vmem>>, vector<1x16xf32>,
        %parallel_loop3A_476 = vector.shape_cast %parallel_loop3A_475 : vector<1x16xf32> to vector<16xf32>
        %parallel_loop3A_477 = arith.constant 0 : i32
        %parallel_loop3A_478 = arith.index_cast %parallel_loop3A_454 : i32 to index
        %parallel_loop3A_479 = arith.index_cast %parallel_loop3A_477 : i32 to index
        %parallel_loop3A_480 = arith.index_cast %parallel_loop3A_472 : i32 to index
        %parallel_loop3A_481 = tpu.vector_load %arg11[%parallel_loop3A_478, %parallel_loop3A_479, %parallel_loop3A_480] {strides = array<i32>} : memref<2x4x1024xf32, #tpu.memory_space<vmem>>, vector<1x1x16xf32>,
        %parallel_loop3A_482 = vector.shape_cast %parallel_loop3A_481 : vector<1x1x16xf32> to vector<16xf32>
        %parallel_loop3A_483 = vector.shape_cast %parallel_loop3A_476 : vector<16xf32> to vector<1x1x16xf32>
        tpu.vector_store %arg11[%parallel_loop3A_478, %parallel_loop3A_479, %parallel_loop3A_480], %parallel_loop3A_483 {add = true, strides = array<i32>} : memref<2x4x1024xf32, #tpu.memory_space<vmem>>, vector<1x1x16xf32>,
        %parallel_loop3A_484 = arith.constant 1 : i32
        %parallel_loop3A_485 = arith.index_cast %parallel_loop3A_454 : i32 to index
        %parallel_loop3A_486 = arith.index_cast %parallel_loop3A_484 : i32 to index
        %parallel_loop3A_487 = arith.index_cast %parallel_loop3A_472 : i32 to index
        %parallel_loop3A_488 = tpu.vector_load %arg11[%parallel_loop3A_485, %parallel_loop3A_486, %parallel_loop3A_487] {strides = array<i32>} : memref<2x4x1024xf32, #tpu.memory_space<vmem>>, vector<1x1x16xf32>,
        %parallel_loop3A_489 = vector.shape_cast %parallel_loop3A_488 : vector<1x1x16xf32> to vector<16xf32>
        %parallel_loop3A_490 = vector.shape_cast %parallel_loop3A_476 : vector<16xf32> to vector<1x1x16xf32>
        tpu.vector_store %arg11[%parallel_loop3A_485, %parallel_loop3A_486, %parallel_loop3A_487], %parallel_loop3A_490 {add = true, strides = array<i32>} : memref<2x4x1024xf32, #tpu.memory_space<vmem>>, vector<1x1x16xf32>,
        %parallel_loop3A_491 = arith.constant 2 : i32
        %parallel_loop3A_492 = arith.index_cast %parallel_loop3A_454 : i32 to index
        %parallel_loop3A_493 = arith.index_cast %parallel_loop3A_491 : i32 to index
        %parallel_loop3A_494 = arith.index_cast %parallel_loop3A_472 : i32 to index
        %parallel_loop3A_495 = tpu.vector_load %arg11[%parallel_loop3A_492, %parallel_loop3A_493, %parallel_loop3A_494] {strides = array<i32>} : memref<2x4x1024xf32, #tpu.memory_space<vmem>>, vector<1x1x16xf32>,
        %parallel_loop3A_496 = vector.shape_cast %parallel_loop3A_495 : vector<1x1x16xf32> to vector<16xf32>
        %parallel_loop3A_497 = vector.shape_cast %parallel_loop3A_476 : vector<16xf32> to vector<1x1x16xf32>
        tpu.vector_store %arg11[%parallel_loop3A_492, %parallel_loop3A_493, %parallel_loop3A_494], %parallel_loop3A_497 {add = true, strides = array<i32>} : memref<2x4x1024xf32, #tpu.memory_space<vmem>>, vector<1x1x16xf32>,
        %parallel_loop3A_498 = arith.constant 3 : i32
        %parallel_loop3A_499 = arith.index_cast %parallel_loop3A_454 : i32 to index
        %parallel_loop3A_500 = arith.index_cast %parallel_loop3A_498 : i32 to index
        %parallel_loop3A_501 = arith.index_cast %parallel_loop3A_472 : i32 to index
        %parallel_loop3A_502 = tpu.vector_load %arg11[%parallel_loop3A_499, %parallel_loop3A_500, %parallel_loop3A_501] {strides = array<i32>} : memref<2x4x1024xf32, #tpu.memory_space<vmem>>, vector<1x1x16xf32>,
        %parallel_loop3A_503 = vector.shape_cast %parallel_loop3A_502 : vector<1x1x16xf32> to vector<16xf32>
        %parallel_loop3A_504 = vector.shape_cast %parallel_loop3A_476 : vector<16xf32> to vector<1x1x16xf32>
        tpu.vector_store %arg11[%parallel_loop3A_499, %parallel_loop3A_500, %parallel_loop3A_501], %parallel_loop3A_504 {add = true, strides = array<i32>} : memref<2x4x1024xf32, #tpu.memory_space<vmem>>, vector<1x1x16xf32>,
      } {sc.loop_unroll_factor = 4 : i64, sc.parallel_access}
      %mul3A_376 = arith.constant 2 : i32
      %mul3A_377 = arith.muli %add3A_343, %mul3A_376 : i32
      %add3A_378 = arith.addi %mul3A_2, %mul3A_377 : i32
      %dma_start3A_379 = arith.constant 0 : i32
      %dma_start3A_380 = arith.constant 0 : i32
      %dma_start3A_381 = tpu.memref_slice %arg4[%add3A_378, %dma_start3A_379, %dma_start3A_380] : memref<8192x4x1024xf32, #tpu.memory_space<hbm>> -> memref<2x4x1024xf32, #tpu.memory_space<hbm>>
      %dma_start3A_382 = arith.constant 0 : i32
      %dma_start3A_383 = arith.constant 0 : i32
      %dma_start3A_384 = tpu.memref_slice %arg4[%add3A_378, %dma_start3A_382, %dma_start3A_383] : memref<8192x4x1024xf32, #tpu.memory_space<hbm>> -> memref<2x4x1024xf32, #tpu.memory_space<hbm>>
      tpu.enqueue_dma source(%arg11 : memref<2x4x1024xf32, #tpu.memory_space<vmem>>) target(%dma_start3A_384 : memref<2x4x1024xf32, #tpu.memory_space<hbm>>) target_semaphore(%arg43 : memref<!tpu.dma_semaphore, #tpu.memory_space<semaphore_mem>>)
      %mul3A_385 = arith.constant 8 : i32
      %mul3A_386 = arith.muli %scan3A_86, %mul3A_385 : i32
      %add3A_387 = arith.constant 7 : i32
      %add3A_388 = arith.addi %mul3A_386, %add3A_387 : i32
      %dma_wait3A_389 = arith.constant 0 : i32
      %dma_wait3A_390 = arith.constant 0 : i32
      %dma_wait3A_391 = arith.constant 0 : i32
      %dma_wait3A_392 = tpu.memref_slice %arg4[%dma_wait3A_389, %dma_wait3A_390, %dma_wait3A_391] : memref<8192x4x1024xf32, #tpu.memory_space<hbm>> -> memref<2x4x1024xf32, #tpu.memory_space<hbm>>
      %dma_wait3A_393 = arith.constant 0 : i32
      %dma_wait3A_394 = arith.constant 0 : i32
      %dma_wait3A_395 = arith.constant 0 : i32
      %dma_wait3A_396 = tpu.memref_slice %arg4[%dma_wait3A_393, %dma_wait3A_394, %dma_wait3A_395] : memref<8192x4x1024xf32, #tpu.memory_space<hbm>> -> memref<2x4x1024xf32, #tpu.memory_space<hbm>>
      tpu.wait_dma2 semaphore(%arg40 : memref<!tpu.dma_semaphore, #tpu.memory_space<semaphore_mem>>) src(%arg8 : memref<2x4x1024xf32, #tpu.memory_space<vmem>>) dst(%dma_wait3A_396 : memref<2x4x1024xf32, #tpu.memory_space<hbm>>)
      %add3A_397 = arith.constant 4 : i32
      %add3A_398 = arith.addi %add3A_388, %add3A_397 : i32
      %lt3A_399 = arith.constant 128 : i32
      %lt3A_400 = arith.cmpi slt, %add3A_398, %lt3A_399 : i32
      %convert_element_type3A_401 = arith.extui %lt3A_400 : i1 to i32
      %cond3A_402 = arith.constant 0 : i32
      %cond3A_403 = arith.cmpi ne, %convert_element_type3A_401, %cond3A_402 : i32
      scf.if %cond3A_403 {
        %add3A_430 = arith.constant 4 : i32
        %add3A_431 = arith.addi %add3A_388, %add3A_430 : i32
        %mul3A_432 = arith.constant 2 : i32
        %mul3A_433 = arith.muli %add3A_431, %mul3A_432 : i32
        %add3A_434 = arith.addi %mul3A_2, %mul3A_433 : i32
        %dma_start3A_435 = arith.constant 0 : i32
        %dma_start3A_436 = arith.constant 0 : i32
        %dma_start3A_437 = tpu.memref_slice %arg2[%add3A_434, %dma_start3A_435, %dma_start3A_436] : memref<8192x4x1024xf32, #tpu.memory_space<hbm>> -> memref<2x4x1024xf32, #tpu.memory_space<hbm>>
        %dma_start3A_438 = arith.constant 0 : i32
        %dma_start3A_439 = arith.constant 0 : i32
        %dma_start3A_440 = tpu.memref_slice %arg2[%add3A_434, %dma_start3A_438, %dma_start3A_439] : memref<8192x4x1024xf32, #tpu.memory_space<hbm>> -> memref<2x4x1024xf32, #tpu.memory_space<hbm>>
        tpu.enqueue_dma source(%dma_start3A_440 : memref<2x4x1024xf32, #tpu.memory_space<hbm>>) target(%arg8 : memref<2x4x1024xf32, #tpu.memory_space<vmem>>) target_semaphore(%arg24 : memref<!tpu.dma_semaphore, #tpu.memory_space<semaphore_mem>>)
        %dma_start3A_441 = arith.constant 0 : i32
        %dma_start3A_442 = tpu.memref_slice %arg3[%add3A_434, %dma_start3A_441] : memref<8192x1024xf32, #tpu.memory_space<hbm>> -> memref<2x1024xf32, #tpu.memory_space<hbm>>
        %dma_start3A_443 = arith.constant 0 : i32
        %dma_start3A_444 = tpu.memref_slice %arg3[%add3A_434, %dma_start3A_443] : memref<8192x1024xf32, #tpu.memory_space<hbm>> -> memref<2x1024xf32, #tpu.memory_space<hbm>>
        tpu.enqueue_dma source(%dma_start3A_444 : memref<2x1024xf32, #tpu.memory_space<hbm>>) target(%arg16 : memref<2x1024xf32, #tpu.memory_space<vmem>>) target_semaphore(%arg32 : memref<!tpu.dma_semaphore, #tpu.memory_space<semaphore_mem>>)
      } else {
      }
      %dma_wait3A_404 = arith.constant 0 : i32
      %dma_wait3A_405 = arith.constant 0 : i32
      %dma_wait3A_406 = arith.constant 0 : i32
      %dma_wait3A_407 = tpu.memref_slice %arg2[%dma_wait3A_404, %dma_wait3A_405, %dma_wait3A_406] : memref<8192x4x1024xf32, #tpu.memory_space<hbm>> -> memref<2x4x1024xf32, #tpu.memory_space<hbm>>
      %dma_wait3A_408 = arith.constant 0 : i32
      %dma_wait3A_409 = arith.constant 0 : i32
      %dma_wait3A_410 = arith.constant 0 : i32
      %dma_wait3A_411 = tpu.memref_slice %arg2[%dma_wait3A_408, %dma_wait3A_409, %dma_wait3A_410] : memref<8192x4x1024xf32, #tpu.memory_space<hbm>> -> memref<2x4x1024xf32, #tpu.memory_space<hbm>>
      tpu.wait_dma2 semaphore(%arg28 : memref<!tpu.dma_semaphore, #tpu.memory_space<semaphore_mem>>) src(%dma_wait3A_411 : memref<2x4x1024xf32, #tpu.memory_space<hbm>>) dst(%arg12 : memref<2x4x1024xf32, #tpu.memory_space<vmem>>)
      %dma_wait3A_412 = arith.constant 0 : i32
      %dma_wait3A_413 = arith.constant 0 : i32
      %dma_wait3A_414 = tpu.memref_slice %arg3[%dma_wait3A_412, %dma_wait3A_413] : memref<8192x1024xf32, #tpu.memory_space<hbm>> -> memref<2x1024xf32, #tpu.memory_space<hbm>>
      %dma_wait3A_415 = arith.constant 0 : i32
      %dma_wait3A_416 = arith.constant 0 : i32
      %dma_wait3A_417 = tpu.memref_slice %arg3[%dma_wait3A_415, %dma_wait3A_416] : memref<8192x1024xf32, #tpu.memory_space<hbm>> -> memref<2x1024xf32, #tpu.memory_space<hbm>>
      tpu.wait_dma2 semaphore(%arg36 : memref<!tpu.dma_semaphore, #tpu.memory_space<semaphore_mem>>) src(%dma_wait3A_417 : memref<2x1024xf32, #tpu.memory_space<hbm>>) dst(%arg20 : memref<2x1024xf32, #tpu.memory_space<vmem>>)
      %parallel_loop3A_418 = arith.constant 0 : i32
      %parallel_loop3A_419 = arith.constant 128 : i32
      %parallel_loop3A_420 = arith.constant 1 : i32
      scf.for %parallel_loop3A_430 = %parallel_loop3A_418 to %parallel_loop3A_419 step %parallel_loop3A_420  : i32 {
        %parallel_loop3A_431 = arith.constant 64 : i32
        %parallel_loop3A_432 = arith.divsi %parallel_loop3A_430, %parallel_loop3A_431 : i32
        %parallel_loop3A_433 = arith.constant 0 : i32
        %parallel_loop3A_434 = arith.cmpi sgt, %parallel_loop3A_430, %parallel_loop3A_433 : i32
        %parallel_loop3A_435 = arith.extui %parallel_loop3A_434 : i1 to i32
        %parallel_loop3A_436 = arith.constant 0 : i32
        %parallel_loop3A_437 = arith.cmpi slt, %parallel_loop3A_430, %parallel_loop3A_436 : i32
        %parallel_loop3A_438 = arith.extui %parallel_loop3A_437 : i1 to i32
        %parallel_loop3A_439 = arith.subi %parallel_loop3A_435, %parallel_loop3A_438 : i32
        %parallel_loop3A_440 = arith.constant 0 : i32
        %parallel_loop3A_441 = arith.cmpi sgt, %parallel_loop3A_431, %parallel_loop3A_440 : i32
        %parallel_loop3A_442 = arith.extui %parallel_loop3A_441 : i1 to i32
        %parallel_loop3A_443 = arith.constant 0 : i32
        %parallel_loop3A_444 = arith.cmpi slt, %parallel_loop3A_431, %parallel_loop3A_443 : i32
        %parallel_loop3A_445 = arith.extui %parallel_loop3A_444 : i1 to i32
        %parallel_loop3A_446 = arith.subi %parallel_loop3A_442, %parallel_loop3A_445 : i32
        %parallel_loop3A_447 = arith.cmpi ne, %parallel_loop3A_439, %parallel_loop3A_446 : i32
        %parallel_loop3A_448 = arith.remsi %parallel_loop3A_430, %parallel_loop3A_431 : i32
        %parallel_loop3A_449 = arith.constant 0 : i32
        %parallel_loop3A_450 = arith.cmpi ne, %parallel_loop3A_448, %parallel_loop3A_449 : i32
        %parallel_loop3A_451 = arith.andi %parallel_loop3A_447, %parallel_loop3A_450 : i1
        %parallel_loop3A_452 = arith.constant 1 : i32
        %parallel_loop3A_453 = arith.subi %parallel_loop3A_432, %parallel_loop3A_452 : i32
        %parallel_loop3A_454 = arith.select %parallel_loop3A_451, %parallel_loop3A_453, %parallel_loop3A_432 : i32
        %parallel_loop3A_455 = arith.constant 64 : i32
        %parallel_loop3A_456 = arith.constant 0 : i32
        %parallel_loop3A_457 = arith.cmpi eq, %parallel_loop3A_455, %parallel_loop3A_456 : i32
        %parallel_loop3A_458 = arith.constant 1 : i32
        %parallel_loop3A_459 = arith.select %parallel_loop3A_457, %parallel_loop3A_458, %parallel_loop3A_455 : i32
        %parallel_loop3A_460 = arith.remsi %parallel_loop3A_430, %parallel_loop3A_459 : i32
        %parallel_loop3A_461 = arith.constant 0 : i32
        %parallel_loop3A_462 = arith.cmpi ne, %parallel_loop3A_460, %parallel_loop3A_461 : i32
        %parallel_loop3A_463 = arith.constant 0 : i32
        %parallel_loop3A_464 = arith.cmpi slt, %parallel_loop3A_460, %parallel_loop3A_463 : i32
        %parallel_loop3A_465 = arith.constant 0 : i32
        %parallel_loop3A_466 = arith.cmpi slt, %parallel_loop3A_459, %parallel_loop3A_465 : i32
        %parallel_loop3A_467 = arith.xori %parallel_loop3A_464, %parallel_loop3A_466 : i1
        %parallel_loop3A_468 = arith.andi %parallel_loop3A_467, %parallel_loop3A_462 : i1
        %parallel_loop3A_469 = arith.addi %parallel_loop3A_460, %parallel_loop3A_459 : i32
        %parallel_loop3A_470 = arith.select %parallel_loop3A_468, %parallel_loop3A_469, %parallel_loop3A_460 : i32
        %parallel_loop3A_471 = arith.constant 16 : i32
        %parallel_loop3A_472 = arith.muli %parallel_loop3A_470, %parallel_loop3A_471 : i32
        %parallel_loop3A_473 = arith.index_cast %parallel_loop3A_454 : i32 to index
        %parallel_loop3A_474 = arith.index_cast %parallel_loop3A_472 : i32 to index
        %parallel_loop3A_475 = tpu.vector_load %arg20[%parallel_loop3A_473, %parallel_loop3A_474] {strides = array<i32>} : memref<2x1024xf32, #tpu.memory_space<vmem>>, vector<1x16xf32>,
        %parallel_loop3A_476 = vector.shape_cast %parallel_loop3A_475 : vector<1x16xf32> to vector<16xf32>
        %parallel_loop3A_477 = arith.constant 0 : i32
        %parallel_loop3A_478 = arith.index_cast %parallel_loop3A_454 : i32 to index
        %parallel_loop3A_479 = arith.index_cast %parallel_loop3A_477 : i32 to index
        %parallel_loop3A_480 = arith.index_cast %parallel_loop3A_472 : i32 to index
        %parallel_loop3A_481 = tpu.vector_load %arg12[%parallel_loop3A_478, %parallel_loop3A_479, %parallel_loop3A_480] {strides = array<i32>} : memref<2x4x1024xf32, #tpu.memory_space<vmem>>, vector<1x1x16xf32>,
        %parallel_loop3A_482 = vector.shape_cast %parallel_loop3A_481 : vector<1x1x16xf32> to vector<16xf32>
        %parallel_loop3A_483 = vector.shape_cast %parallel_loop3A_476 : vector<16xf32> to vector<1x1x16xf32>
        tpu.vector_store %arg12[%parallel_loop3A_478, %parallel_loop3A_479, %parallel_loop3A_480], %parallel_loop3A_483 {add = true, strides = array<i32>} : memref<2x4x1024xf32, #tpu.memory_space<vmem>>, vector<1x1x16xf32>,
        %parallel_loop3A_484 = arith.constant 1 : i32
        %parallel_loop3A_485 = arith.index_cast %parallel_loop3A_454 : i32 to index
        %parallel_loop3A_486 = arith.index_cast %parallel_loop3A_484 : i32 to index
        %parallel_loop3A_487 = arith.index_cast %parallel_loop3A_472 : i32 to index
        %parallel_loop3A_488 = tpu.vector_load %arg12[%parallel_loop3A_485, %parallel_loop3A_486, %parallel_loop3A_487] {strides = array<i32>} : memref<2x4x1024xf32, #tpu.memory_space<vmem>>, vector<1x1x16xf32>,
        %parallel_loop3A_489 = vector.shape_cast %parallel_loop3A_488 : vector<1x1x16xf32> to vector<16xf32>
        %parallel_loop3A_490 = vector.shape_cast %parallel_loop3A_476 : vector<16xf32> to vector<1x1x16xf32>
        tpu.vector_store %arg12[%parallel_loop3A_485, %parallel_loop3A_486, %parallel_loop3A_487], %parallel_loop3A_490 {add = true, strides = array<i32>} : memref<2x4x1024xf32, #tpu.memory_space<vmem>>, vector<1x1x16xf32>,
        %parallel_loop3A_491 = arith.constant 2 : i32
        %parallel_loop3A_492 = arith.index_cast %parallel_loop3A_454 : i32 to index
        %parallel_loop3A_493 = arith.index_cast %parallel_loop3A_491 : i32 to index
        %parallel_loop3A_494 = arith.index_cast %parallel_loop3A_472 : i32 to index
        %parallel_loop3A_495 = tpu.vector_load %arg12[%parallel_loop3A_492, %parallel_loop3A_493, %parallel_loop3A_494] {strides = array<i32>} : memref<2x4x1024xf32, #tpu.memory_space<vmem>>, vector<1x1x16xf32>,
        %parallel_loop3A_496 = vector.shape_cast %parallel_loop3A_495 : vector<1x1x16xf32> to vector<16xf32>
        %parallel_loop3A_497 = vector.shape_cast %parallel_loop3A_476 : vector<16xf32> to vector<1x1x16xf32>
        tpu.vector_store %arg12[%parallel_loop3A_492, %parallel_loop3A_493, %parallel_loop3A_494], %parallel_loop3A_497 {add = true, strides = array<i32>} : memref<2x4x1024xf32, #tpu.memory_space<vmem>>, vector<1x1x16xf32>,
        %parallel_loop3A_498 = arith.constant 3 : i32
        %parallel_loop3A_499 = arith.index_cast %parallel_loop3A_454 : i32 to index
        %parallel_loop3A_500 = arith.index_cast %parallel_loop3A_498 : i32 to index
        %parallel_loop3A_501 = arith.index_cast %parallel_loop3A_472 : i32 to index
        %parallel_loop3A_502 = tpu.vector_load %arg12[%parallel_loop3A_499, %parallel_loop3A_500, %parallel_loop3A_501] {strides = array<i32>} : memref<2x4x1024xf32, #tpu.memory_space<vmem>>, vector<1x1x16xf32>,
        %parallel_loop3A_503 = vector.shape_cast %parallel_loop3A_502 : vector<1x1x16xf32> to vector<16xf32>
        %parallel_loop3A_504 = vector.shape_cast %parallel_loop3A_476 : vector<16xf32> to vector<1x1x16xf32>
        tpu.vector_store %arg12[%parallel_loop3A_499, %parallel_loop3A_500, %parallel_loop3A_501], %parallel_loop3A_504 {add = true, strides = array<i32>} : memref<2x4x1024xf32, #tpu.memory_space<vmem>>, vector<1x1x16xf32>,
      } {sc.loop_unroll_factor = 4 : i64, sc.parallel_access}
      %mul3A_421 = arith.constant 2 : i32
      %mul3A_422 = arith.muli %add3A_388, %mul3A_421 : i32
      %add3A_423 = arith.addi %mul3A_2, %mul3A_422 : i32
      %dma_start3A_424 = arith.constant 0 : i32
      %dma_start3A_425 = arith.constant 0 : i32
      %dma_start3A_426 = tpu.memref_slice %arg4[%add3A_423, %dma_start3A_424, %dma_start3A_425] : memref<8192x4x1024xf32, #tpu.memory_space<hbm>> -> memref<2x4x1024xf32, #tpu.memory_space<hbm>>
      %dma_start3A_427 = arith.constant 0 : i32
      %dma_start3A_428 = arith.constant 0 : i32
      %dma_start3A_429 = tpu.memref_slice %arg4[%add3A_423, %dma_start3A_427, %dma_start3A_428] : memref<8192x4x1024xf32, #tpu.memory_space<hbm>> -> memref<2x4x1024xf32, #tpu.memory_space<hbm>>
      tpu.enqueue_dma source(%arg12 : memref<2x4x1024xf32, #tpu.memory_space<vmem>>) target(%dma_start3A_429 : memref<2x4x1024xf32, #tpu.memory_space<hbm>>) target_semaphore(%arg44 : memref<!tpu.dma_semaphore, #tpu.memory_space<semaphore_mem>>)
    }
    %scan3A_54 = arith.constant 16 : i32
    %dma_wait3A = arith.constant 0 : i32
    %dma_wait3A_55 = arith.constant 0 : i32
    %dma_wait3A_56 = arith.constant 0 : i32
    %dma_wait3A_57 = tpu.memref_slice %arg4[%dma_wait3A, %dma_wait3A_55, %dma_wait3A_56] : memref<8192x4x1024xf32, #tpu.memory_space<hbm>> -> memref<2x4x1024xf32, #tpu.memory_space<hbm>>
    %dma_wait3A_58 = arith.constant 0 : i32
    %dma_wait3A_59 = arith.constant 0 : i32
    %dma_wait3A_60 = arith.constant 0 : i32
    %dma_wait3A_61 = tpu.memref_slice %arg4[%dma_wait3A_58, %dma_wait3A_59, %dma_wait3A_60] : memref<8192x4x1024xf32, #tpu.memory_space<hbm>> -> memref<2x4x1024xf32, #tpu.memory_space<hbm>>
    tpu.wait_dma2 semaphore(%arg41 : memref<!tpu.dma_semaphore, #tpu.memory_space<semaphore_mem>>) src(%arg9 : memref<2x4x1024xf32, #tpu.memory_space<vmem>>) dst(%dma_wait3A_61 : memref<2x4x1024xf32, #tpu.memory_space<hbm>>)
    %dma_wait3A_62 = arith.constant 0 : i32
    %dma_wait3A_63 = arith.constant 0 : i32
    %dma_wait3A_64 = arith.constant 0 : i32
    %dma_wait3A_65 = tpu.memref_slice %arg4[%dma_wait3A_62, %dma_wait3A_63, %dma_wait3A_64] : memref<8192x4x1024xf32, #tpu.memory_space<hbm>> -> memref<2x4x1024xf32, #tpu.memory_space<hbm>>
    %dma_wait3A_66 = arith.constant 0 : i32
    %dma_wait3A_67 = arith.constant 0 : i32
    %dma_wait3A_68 = arith.constant 0 : i32
    %dma_wait3A_69 = tpu.memref_slice %arg4[%dma_wait3A_66, %dma_wait3A_67, %dma_wait3A_68] : memref<8192x4x1024xf32, #tpu.memory_space<hbm>> -> memref<2x4x1024xf32, #tpu.memory_space<hbm>>
    tpu.wait_dma2 semaphore(%arg42 : memref<!tpu.dma_semaphore, #tpu.memory_space<semaphore_mem>>) src(%arg10 : memref<2x4x1024xf32, #tpu.memory_space<vmem>>) dst(%dma_wait3A_69 : memref<2x4x1024xf32, #tpu.memory_space<hbm>>)
    %dma_wait3A_70 = arith.constant 0 : i32
    %dma_wait3A_71 = arith.constant 0 : i32
    %dma_wait3A_72 = arith.constant 0 : i32
    %dma_wait3A_73 = tpu.memref_slice %arg4[%dma_wait3A_70, %dma_wait3A_71, %dma_wait3A_72] : memref<8192x4x1024xf32, #tpu.memory_space<hbm>> -> memref<2x4x1024xf32, #tpu.memory_space<hbm>>
    %dma_wait3A_74 = arith.constant 0 : i32
    %dma_wait3A_75 = arith.constant 0 : i32
    %dma_wait3A_76 = arith.constant 0 : i32
    %dma_wait3A_77 = tpu.memref_slice %arg4[%dma_wait3A_74, %dma_wait3A_75, %dma_wait3A_76] : memref<8192x4x1024xf32, #tpu.memory_space<hbm>> -> memref<2x4x1024xf32, #tpu.memory_space<hbm>>
    tpu.wait_dma2 semaphore(%arg43 : memref<!tpu.dma_semaphore, #tpu.memory_space<semaphore_mem>>) src(%arg11 : memref<2x4x1024xf32, #tpu.memory_space<vmem>>) dst(%dma_wait3A_77 : memref<2x4x1024xf32, #tpu.memory_space<hbm>>)
    %dma_wait3A_78 = arith.constant 0 : i32
    %dma_wait3A_79 = arith.constant 0 : i32
    %dma_wait3A_80 = arith.constant 0 : i32
    %dma_wait3A_81 = tpu.memref_slice %arg4[%dma_wait3A_78, %dma_wait3A_79, %dma_wait3A_80] : memref<8192x4x1024xf32, #tpu.memory_space<hbm>> -> memref<2x4x1024xf32, #tpu.memory_space<hbm>>
    %dma_wait3A_82 = arith.constant 0 : i32
    %dma_wait3A_83 = arith.constant 0 : i32
    %dma_wait3A_84 = arith.constant 0 : i32
    %dma_wait3A_85 = tpu.memref_slice %arg4[%dma_wait3A_82, %dma_wait3A_83, %dma_wait3A_84] : memref<8192x4x1024xf32, #tpu.memory_space<hbm>> -> memref<2x4x1024xf32, #tpu.memory_space<hbm>>
    tpu.wait_dma2 semaphore(%arg44 : memref<!tpu.dma_semaphore, #tpu.memory_space<semaphore_mem>>) src(%arg12 : memref<2x4x1024xf32, #tpu.memory_space<vmem>>) dst(%dma_wait3A_85 : memref<2x4x1024xf32, #tpu.memory_space<hbm>>)
    return
  }
}

</mosaic_0001>

<sc_bundles>
// kernel: kernel.3.cloned.1.call-start
scs
__scs_entry_jumppad:
0x0: {  	(pc) =	sbr.rel $0x88, $3  }
0x1: {  	(tag) =	ssettag $0x0;
	lr =	simm.s32 $0x1  }
0x2: {  	[smem:$0x3F9F] =	sst lr;
	_ =	strace $0xD0000000  }
0x3: {  	_ = 	snop  }
0x4: {  	_ = 	snop  }
0x5: {  	_ = 	snop  }
0x6: {  	_ = 	snop  }
0x7: {  	_ = 	snop  }
__scs_overlays_trampoline_lowered:
0x8: {  	[smem:$0x3FAE] =	sst s0  }
0x9: {  	[smem:$0x3FAF] =	sst s1  }
0xa: {  	[smem:$0x3FB0] =	sst s2  }
0xb: {  	[smem:$0x3FB1] =	sst s3  }
0xc: {  	[smem:$0x3FB2] =	sst s4  }
0xd: {  	[smem:$0x3FB3] =	sst s5  }
0xe: {  	[smem:$0x3FB4] =	sst s6  }
0xf: {  	[smem:$0x3FB5] =	sst s7  }
0x10: {  	[smem:$0x3FB6] =	sst s8  }
0x11: {  	[smem:$0x3FB7] =	sst s9;
	s0 =	simm.s32 @!p0 $0x0  }
0x12: {  	s1 =	sld [smem:$0x3F9D];
	s0 =	simm.s32 @p0 $0x1  }
0x13: {  	[smem:$0x3FB8] =	sst s0;
	s0 =	simm.s32 @!p1 $0x0  }
0x14: {  	s2 =	sld [smem:$0x3F9C];
	s0 =	simm.s32 @p1 $0x1  }
0x15: {  	[smem:$0x3FB9] =	sst s0;
	s0 =	simm.s32 @!p2 $0x0  }
0x16: {  	s3 =	sld [smem:$0x3FDB];
	s0 =	simm.s32 @p2 $0x1  }
0x17: {  	s4 =	simm.s32 $0x1BF5;
	[smem:$0x3FBB] =	sst s0  }
0x18: {  	s0 =	sld [smem:$0x3F9E];
	_ =	swait.ge [sflag:s4], $0x0  }
0x19: {  	s7 =	sld [smem:$0x3F9F]  }
0x1a: {  	s8 =	sadd.s32 $0xFFFFE003, lr  }
0x1b: {  	s9 =	sadd.s32 $0xFFFFFEF7, lr;
	s5 =	simm.s32 $0xFFFFFFFF;
	p2 =	slt.u32 s8, $0xFFFFF086  }
0x1c: {  	p1 =	slt.u32 s9, $0xF7A;
	s5 =	simm.s32 @!p2 $0x0  }
0x1d: {  	s5 =	simm.s32 @p1 $0x1;
	p0 =	seq.s32 s7, s2  }
0x1e: {  	s7 =	smul.u32 @!p0 $0xF7A, s2;
	p2 =	seq.s32 @!p0 s5, $0x0  }
0x1f: {  	s9 =	smul.u32 $0xF7A, s1;
	s8 =	simm.s32 @!p0 $0x1BF5;
	p2 =	por !p2, p0  }
0x20: {  	[sflag:s8] =	ssyncset.s32 @!p0 $0xFFFFF086;
	s6 =	sadd.s32 @!p0 s3, s7;
	s7 =	simm.s32 @!p0 $0x108  }
0x21: {  	s3 =	sadd.s32 s3, s9;
	s6 =	sadd.s32 @!p0 $0x88, s6;
	s7 =	simm.s32 @p2 $0x1082  }
0x22: {  	[simem:s7], [sflag:s8] =	dma.local @!p0 [hbm:s6], $0xF7A  }
0x23: {  	s9 =	sor.u32 $0xD0000000, s2;
	s6 =	simm.s32 $0x108;
	_ =	swait.ge @!p0 [sflag:s8], $0x0  }
0x24: {  	s3 =	sadd.s32 $0x88, s3;
	s6 =	simm.s32 @!p1 $0x1082;
	[sflag:s4] =	ssyncset.s32 $0xFFFFF086  }
0x25: {  	[simem:s6], [sflag:s4] =	dma.local [hbm:s3], $0xF7A  }
0x26: {  	[smem:$0x3F9F] =	sst s1;
	(tag) =	ssettag s2;
	_ =	strace s9  }
0x27: {  	s1 =	sld [smem:$0x3FAF]  }
0x28: {  	s2 =	sld [smem:$0x3FB0]  }
0x29: {  	s4 =	sld [smem:$0x3FB2]  }
0x2a: {  	p0 =	seq.s32 s5, $0x0;
	s5 =	sld [smem:$0x3FB3]  }
0x2b: {  	s6 =	sld [smem:$0x3FB4]  }
0x2c: {  	s7 =	sld [smem:$0x3FB5]  }
0x2d: {  	s3 =	simm.s32 $0x108;
	s8 =	sld [smem:$0x3FB6]  }
0x2e: {  	s3 =	simm.s32 @!p0 $0x1082;
	s9 =	sld [smem:$0x3FB7]  }
0x2f: {  	lr =	sadd.s32 s0, s3;
	s0 =	sld [smem:$0x3FAE]  }
0x30: {  	s3 =	sld [smem:$0x3FB1]  }
0x31: {  	[smem:$0x3FBA] =	sst s10  }
0x32: {  	s10 =	sld [smem:$0x3FB8];
	_ =	sdelay $0x3  }
0x33: {  	p0 =	seq.s32 s10, $0x1;
	s10 =	sld [smem:$0x3FBA];
	_ =	sdelay $0x3  }
0x34: {  	[smem:$0x3FBA] =	sst s10  }
0x35: {  	s10 =	sld [smem:$0x3FB9];
	_ =	sdelay $0x3  }
0x36: {  	p1 =	seq.s32 s10, $0x1;
	s10 =	sld [smem:$0x3FBA];
	_ =	sdelay $0x3  }
0x37: {  	[smem:$0x3FBA] =	sst s10  }
0x38: {  	s10 =	sld [smem:$0x3FBB]  }
0x39: {  	_ = 	snop;
	(pc) =	sbr.ind lr, $3  }
0x3a: {  	_ = 	snop  }
0x3b: {  	_ = 	snop  }
0x3c: {  	p2 =	seq.s32 s10, $0x1;
	s10 =	sld [smem:$0x3FBA]  }
0x3d: {  	_ =	shalt  }
0x3e: {  	_ =	shalt  }
0x3f: {  	_ =	shalt  }
0x40: {  	_ =	shalt  }
0x41: {  	_ =	shalt  }
0x42: {  	_ =	shalt  }
0x43: {  	_ =	shalt  }
0x44: {  	_ =	shalt  }
0x45: {  	_ =	shalt  }
0x46: {  	_ =	shalt  }
0x47: {  	_ =	shalt  }
0x48: {  	_ =	shalt  }
0x49: {  	_ =	shalt  }
0x4a: {  	_ =	shalt  }
0x4b: {  	_ =	shalt  }
0x4c: {  	_ =	shalt  }
0x4d: {  	_ =	shalt  }
0x4e: {  	_ =	shalt  }
0x4f: {  	_ =	shalt  }
0x50: {  	_ =	shalt  }
0x51: {  	_ =	shalt  }
0x52: {  	_ =	shalt  }
0x53: {  	_ =	shalt  }
0x54: {  	_ =	shalt  }
0x55: {  	_ =	shalt  }
0x56: {  	_ =	shalt  }
0x57: {  	_ =	shalt  }
0x58: {  	_ =	shalt  }
0x59: {  	_ =	shalt  }
0x5a: {  	_ =	shalt  }
0x5b: {  	_ =	shalt  }
0x5c: {  	_ =	shalt  }
0x5d: {  	_ =	shalt  }
0x5e: {  	_ =	shalt  }
0x5f: {  	_ =	shalt  }
0x60: {  	_ =	shalt  }
0x61: {  	_ =	shalt  }
0x62: {  	_ =	shalt  }
0x63: {  	_ =	shalt  }
0x64: {  	_ =	shalt  }
0x65: {  	_ =	shalt  }
0x66: {  	_ =	shalt  }
0x67: {  	_ =	shalt  }
0x68: {  	_ =	shalt  }
0x69: {  	_ =	shalt  }
0x6a: {  	_ =	shalt  }
0x6b: {  	_ =	shalt  }
0x6c: {  	_ =	shalt  }
0x6d: {  	_ =	shalt  }
0x6e: {  	_ =	shalt  }
0x6f: {  	_ =	shalt  }
0x70: {  	_ =	shalt  }
0x71: {  	_ =	shalt  }
0x72: {  	_ =	shalt  }
0x73: {  	_ =	shalt  }
0x74: {  	_ =	shalt  }
0x75: {  	_ =	shalt  }
0x76: {  	_ =	shalt  }
0x77: {  	_ =	shalt  }
0x78: {  	_ =	shalt  }
0x79: {  	_ =	shalt  }
0x7a: {  	_ =	shalt  }
0x7b: {  	_ =	shalt  }
0x7c: {  	_ =	shalt  }
0x7d: {  	_ =	shalt  }
0x7e: {  	_ =	shalt  }
0x7f: {  	_ =	shalt  }
0x80: {  	_ =	shalt  }
0x81: {  	_ =	shalt  }
0x82: {  	_ =	shalt  }
0x83: {  	_ =	shalt  }
0x84: {  	_ =	shalt  }
0x85: {  	_ =	shalt  }
0x86: {  	_ =	shalt  }
0x87: {  	_ =	shalt  }
.Lfunc_end0:
.L_simem_size_0:
called_computation_lowered:
.L_overlay_start_0:
0x88: {  	s2 =	sld [smem:$0x3FD9]  }
0x89: {  	s3 =	sld [smem:$0x3FFE];
	_ =	sdelay $0x1  }
0x8a: {  	s1 =	srdreg.scid  }
0x8b: {  	s0 =	sand.u32 $0x1, s1  }
0x8c: {  	s18 =	sshll.u32 s0, $0xA;
	s2 =	sadd.s32 s3, s2  }
0x8d: {  	s2 =	sadd.s32 s2, s18  }
0x8e: {  	[smem:$0x3FC6] =	sst s2  }
0x8f: {  	_ = 	snop  }
0x90: {  	s2 =	sld [smem:$0x3FC9]  }
0x91: {  	s19 =	sld [smem:$0x3FC8]  }
0x92: {  	s4 =	sld [smem:$0x3FD0];
	(tm) =	ssettm $0x1  }
0x93: {  	s5 =	sld [smem:$0x3FFB];
	_ =	sdelay $0x3  }
0x94: {  	_ =	strace s5  }
0x95: {  	s5 =	sld [smem:$0x3FFC];
	_ =	sdelay $0x3  }
0x96: {  	_ =	strace s5  }
0x97: {  	s5 =	sld [smem:$0x3FFD];
	_ =	sdelay $0x3  }
0x98: {  	_ =	strace s5  }
0x99: {  	_ =	strace $0x8FFFFFFF  }
0x9a: {  	s20 =	sld [smem:$0x3FDB];
	_ =	sdelay $0x1  }
0x9b: {  	s6 =	simm.s32 $_scs_section_size  }
0x9c: {  	s7 =	simm.s32 $_size__tile_overlayer_lowered;
	s8 =	simm.s32 $_tile_overlayer_lowered  }
0x9d: {  	s23 =	simm.s32 $0x1BFF;
	s22 =	sshll.u32 s8, $0x1;
	s5 =	sadd.s32 s6, s20  }
0x9e: {  	s9 =	simm.s32 $0x0;
	s21 =	sshll.u32 s7, $0x1;
	s7 =	sadd.s32 s22, s5  }
0x9f: {  	[timem:s9], [sflag:s23] =	dma.local [hbm:s7], s21  }
0xa0: {  	_ =	swait.ge [sflag:s23], s21  }
0xa1: {  	s6 =	ssub.s32 $0x0, s21;
	[sflag:s23] =	ssyncset.done $0x0  }
0xa2: {  	[sflag:s23] =	ssyncadd.s32 s6;
	_ =	sdelay $0x1  }
0xa3: {  	s24 =	simm.s32 $0x1B8B  }
0xa4: {  	_ =	swait.ge [sflag:s24], $0x1  }
0xa5: {  	[sflag:s24] =	ssyncset.done $0x0  }
0xa6: {  	s25 =	simm.s32 $0x1B8E;
	[sflag:s24] =	ssyncadd.s32 $0xFFFFFFFF  }
0xa7: {  	s26 =	simm.s32 $execute0_lowered;
	[smem:$0x3FD2] =	sst s25  }
0xa8: {  	s6 =	sshll.u32 s26, $0x1;
	_ =	strace $0x80000046;
	[dreg:$0x1] =	wrdreg $0xFFFFFFFF  }
0xa9: {  	s28 =	simm.s32 $_size_execute0_lowered;
	s5 =	sadd.s32 s5, s6;
	[dreg:$0x0] =	wrdreg $0x0  }
0xaa: {  	s6 =	sshll.u32 s28, $0x1;
	[dreg:$0x2] =	wrdreg s5  }
0xab: {  	[dreg:$0x3] =	wrdreg s6  }
0xac: {  	[dreg:$0x4] =	wrdreg $0xC0  }
0xad: {  	_ =	task [dreg:s9], $0x5FFFF  }
0xae: {  	[dreg:$0x1] =	wrdreg $0xFFFFFFFF  }
0xaf: {  	[dreg:$0x0] =	wrdreg $0x60  }
0xb0: {  	[dreg:$0x2] =	wrdreg s2  }
0xb1: {  	[dreg:$0x3] =	wrdreg s19  }
0xb2: {  	[dreg:$0x4] =	wrdreg s4  }
0xb3: {  	[dreg:$0x5] =	wrdreg $0x9  }
0xb4: {  	_ =	task.clear_ibuf [dreg:s9], $0x6FFFF;
	_ =	strace $0x90000046  }
0xb5: {  	s29 =	simm.s32 $0x9;
	_ =	strace $0x80000048  }
0xb6: {  	_ =	swait.ge [sflag:s29], $0x1  }
0xb7: {  	[sflag:s29] =	ssyncadd.s32 $0xFFFFFFFF  }
0xb8: {  	_ =	strace $0x90000048  }
0xb9: {  	_ =	sfence  }
0xba: {  	s30 =	sld [smem:$0x0];
	_ =	sdelay $0x2  }
0xbb: {  	s31 =	sshll.u32 s1, $0xD;
	s1 =	sshrl.u32 s1, $0x2  }
0xbc: {  	s3 =	sand.u32 $0x4000, s31;
	s1 =	sadd.s32 s1, s30  }
0xbd: {  	s0 =	sor.u32 s3, s0;
	s1 =	sshll.u32 s1, $0x11  }
0xbe: {  	s0 =	sor.u32 s1, s0  }
0xbf: {  	s0 =	sadd.s32 $0x8F2B, s0  }
0xc0: {  	[sflag:s0] =	ssyncadd.remote.s32 $0x1  }
0xc1: {  	_ =	sfence.sel $0xFFFF  }
0xc2: {  	[dreg:$0x0] =	wrdreg $0xFFFFFFFF;
	(pc) =	sbr.abs _section_cstart, $3  }
0xc3: {  	[dreg:$0x1] =	wrdreg $0xFFFFFFFF  }
0xc4: {  	_ =	task.clear_ibuf [dreg:s9], $0x2FFFF;
	_ =	strace $0x9FFFFFFF  }
0xc5: {  	(tm) =	ssettm $0x7FFFFFFF  }
tec
execute0_lowered:
.L_overlay_start_1:
0x0: {  	(tag) =	ssettag $0x1  }
0x1: {  	s1 =	rddreg [dreg:$0x0];
	s0 =	srdreg.scid  }
0x2: {  	s30 =	rddreg [dreg:$0x1];
	s3 =	stileid.u32;
	s0 =	sand.u32 $0x1, s0  }
0x3: {  	s3 =	sshll.u32 s3, $0x9;
	s2 =	ssub.s32 $0x2, s0;
	s0 =	sshll.u32 s0, $0x8  }
0x4: {  	s7 =	rddreg [dreg:$0x2];
	s5 =	simm.s32 $0x0;
	s6 =	sor.u32 s0, s3  }
0x5: {  	[smem:$0x7FF] =	sst s5;
	s26 =	sor.u32 $0x10, s6  }
0x6: {  	_ =	strace $0x80000047;
	s28 =	sor.u32 $0x12, s6;
	[dreg:$0xc] =	wrdreg s26  }
0x7: {  	s8 =	sadd.s32 $0x20, s30;
	s29 =	sor.u32 $0x14, s6;
	[dreg:$0xd] =	wrdreg s28  }
0x8: {  	s3 =	sshll.u32 s6, $0x7;
	s31 =	sor.u32 $0x16, s6;
	[dreg:$0xe] =	wrdreg s29  }
0x9: {  	s13 =	sadd.s32 $0x40, s30;
	s9 =	sadd.s32 s30, s3;
	[dreg:$0xf] =	wrdreg s31  }
0xa: {  	s14 =	sadd.s32 $0x60, s30;
	s23 =	sadd.s32 s3, s8;
	[dreg:$0x5] =	wrdreg s9  }
0xb: {  	s20 =	sshll.u32 s6, $0x9;
	s25 =	sadd.s32 s3, s13;
	[dreg:$0x7] =	wrdreg s23  }
0xc: {  	s4 =	sshrl.u32 s2, $0x1;
	s21 =	sadd.s32 s1, s20;
	[dreg:$0x9] =	wrdreg s25  }
0xd: {  	s19 =	ssub.s32 s2, s4;
	s3 =	sadd.s32 s3, s14;
	[dreg:$0x4] =	wrdreg s21  }
0xe: {  	s18 =	sadd.s32 s7, s20;
	s0 =	smax.u32 s19, $0x1;
	[dreg:$0xb] =	wrdreg s3  }
0xf: {  	s26 =	simm.s32 $0xC000;
	s22 =	sadd.s32 $0x400, s21;
	[dreg:$0x10] =	wrdreg s0  }
0x10: {  	s24 =	sadd.s32 $0x800, s21;
	s4 =	sadd.s32 $0xC00, s21;
	[dreg:$0x6] =	wrdreg s22  }
0x11: {  	s25 =	simm.s32 $0x400;
	s9 =	simm.s32 $0x8000;
	[dreg:$0x8] =	wrdreg s24  }
0x12: {  	s3 =	simm.s32 $0x0;
	[dreg:$0xa] =	wrdreg s4;
	s24 =	simm.s32 $0x100  }
.LBB2_1:
0x13: {  	[dreg:$0x11] =	wrdreg s3  }
0x14: {  	s0 =	rddreg [dreg:$0x4]  }
0x15: {  	[tilespmem:s5], [sflag:$0x1] =	stream.linear.gather [hbm4b:s0+s5], $0x2000, $0x38;
	[tilespmem:$0x14000] =	vst v63  }
0x16: {  	s11 =	rddreg [dreg:$0x5];
	s2 =	simm.s32 $0x10000  }
0x17: {  	[tilespmem:s2], [sflag:$0x9] =	stream.strided.gather [hbm4b:s11+s24], $0x800, s25, s24, $0x38;
	[tilespmem:$0x14000] =	vst v63  }
0x18: {  	s12 =	rddreg [dreg:$0x6];
	s15 =	simm.s32 $0x2000  }
0x19: {  	[tilespmem:s15], [sflag:$0x2] =	stream.linear.gather [hbm4b:s12+s5], $0x2000, $0x38;
	[tilespmem:$0x14000] =	vst v63  }
0x1a: {  	s16 =	rddreg [dreg:$0x7];
	s17 =	simm.s32 $0x10800  }
0x1b: {  	[tilespmem:s17], [sflag:$0xA] =	stream.strided.gather [hbm4b:s16+s24], $0x800, s25, s24, $0x38;
	[tilespmem:$0x14000] =	vst v63  }
0x1c: {  	s19 =	rddreg [dreg:$0x8];
	s20 =	simm.s32 $0x4000  }
0x1d: {  	[tilespmem:s20], [sflag:$0x3] =	stream.linear.gather [hbm4b:s19+s5], $0x2000, $0x38;
	[tilespmem:$0x14000] =	vst v63  }
0x1e: {  	s21 =	rddreg [dreg:$0x9];
	s22 =	simm.s32 $0x11000  }
0x1f: {  	[tilespmem:s22], [sflag:$0xB] =	stream.strided.gather [hbm4b:s21+s24], $0x800, s25, s24, $0x38;
	[tilespmem:$0x14000] =	vst v63  }
0x20: {  	s23 =	rddreg [dreg:$0xa];
	s28 =	simm.s32 $0x6000  }
0x21: {  	[tilespmem:s28], [sflag:$0x4] =	stream.linear.gather [hbm4b:s23+s5], $0x2000, $0x38;
	[tilespmem:$0x14000] =	vst v63  }
0x22: {  	s29 =	rddreg [dreg:$0xb];
	s31 =	simm.s32 $0x11800;
	s15 =	simm.s32 $0x0  }
0x23: {  	[tilespmem:s31], [sflag:$0xC] =	stream.strided.gather [hbm4b:s29+s24], $0x800, s25, s24, $0x38;
	[tilespmem:$0x14000] =	vst v63  }
.LBB2_2:
0x24: {  	s3 =	sshll.u32 s15, $0x3  }
0x25: {  	s11 =	sor.u32 $0x4, s3  }
0x26: {  	p0 =	seq.s32 s15, $0x0;
	s0 =	sshll.u32 s11, $0x1  }
0x27: {  	s2 =	simm.s32 @!p0 $0x15;
	s0 =	sadd.s32 s6, s0  }
0x28: {  	s7 =	simm.s32 $0x0;
	_ =	swait.ge @!p0 [sflag:s2], $0x2000;
	s4 =	sshll.u32 s0, $0x9  }
0x29: {  	[sflag:s2] =	ssyncset.done @!p0 $0x0;
	s0 =	sshll.u32 s0, $0x7;
	s4 =	sand.u32 $0x1FFFF000, s4  }
0x2a: {  	[sflag:s2] =	ssyncadd.s32 @!p0 $0xFFFFE000;
	s0 =	sand.u32 $0x1FFFFC00, s0;
	s12 =	sadd.s32 s1, s4  }
0x2b: {  	[tilespmem:s9], [sflag:$0x5] =	stream.linear.gather [hbm4b:s12+s7], $0x2000, $0x38;
	[tilespmem:$0x14000] =	vst v63  }
0x2c: {  	s16 =	simm.s32 $0x12000;
	s17 =	simm.s32 $0x1;
	s0 =	sadd.s32 s30, s0  }
0x2d: {  	[tilespmem:s16], [sflag:$0xD] =	stream.strided.gather [hbm4b:s0+s24], $0x800, s25, s24, $0x38;
	[tilespmem:$0x14000] =	vst v63  }
0x2e: {  	s19 =	simm.s32 $0x0;
	s20 =	simm.s32 $0x0;
	_ =	swait.ge [sflag:s17], $0x2000  }
0x2f: {  	s2 =	sand.u32 $0x3FFFFF80, s20;
	s0 =	sand.u32 $0x7, s19;
	[sflag:s17] =	ssyncset.done $0x0  }
0x30: {  	s12 =	simm.s32 $0x9;
	s21 =	sshll.u32 s0, $0x8;
	[sflag:s17] =	ssyncadd.s32 $0xFFFFE000  }
0x31: {  	s10 =	sand.u32 $0x40, s7;
	s2 =	sadd.s32 s2, s21;
	_ =	swait.ge [sflag:s12], $0x800  }
0x32: {  	s22 =	sor.u32 $0x30, s10;
	s2 =	sadd.s32 $0x10000, s2;
	[sflag:s12] =	ssyncset.done $0x0  }
0x33: {  	s9 =	smov.u32 s30;
	s30 =	sor.u32 s22, s2;
	[sflag:s12] =	ssyncadd.s32 $0xFFFFF800  }
0x34: {  	s19 =	simm.s32 $0x0;
	s31 =	sor.u32 s10, s2;
	v2 =	vld [tilespmem:s30+$0x0]  }
0x35: {  	s16 =	sor.u32 $0x10, s10;
	s19 =	sand.u32 $0x3FFFF000, s19;
	v3 =	vld [tilespmem:s31+$0x0]  }
0x36: {  	s0 =	sshll.u32 s0, $0x9;
	s17 =	sor.u32 $0x20, s10;
	s23 =	sor.u32 s16, s2  }
0x37: {  	s0 =	sor.u32 s0, s19;
	s2 =	sor.u32 s17, s2;
	v1 =	vld [tilespmem:s23+$0x0]  }
0x38: {  	s20 =	sor.u32 s22, s0;
	v0 =	vld [tilespmem:s2+$0x0]  }
0x39: {  	s22 =	sor.u32 s10, s0;
	[tilespmem:s20+$0x0] =	vst.add.f32.msk $0xffff, v2  }
0x3a: {  	s4 =	sor.u32 $0x80, s20;
	[tilespmem:s22+$0x0] =	vst.add.f32.msk $0xffff, v3  }
0x3b: {  	s23 =	sor.u32 $0x80, s22;
	[tilespmem:s4+$0x0] =	vst.add.f32.msk $0xffff, v2  }
0x3c: {  	s21 =	sor.u32 $0x100, s20;
	[tilespmem:s23+$0x0] =	vst.add.f32.msk $0xffff, v3  }
0x3d: {  	s16 =	sor.u32 s16, s0;
	s10 =	sor.u32 s17, s0;
	s30 =	sor.u32 $0x100, s22;
	[tilespmem:s21+$0x0] =	vst.add.f32.msk $0xffff, v2  }
0x3e: {  	s0 =	sor.u32 $0x80, s16;
	s28 =	sor.u32 $0x100, s16;
	s2 =	sor.u32 $0x180, s20;
	[tilespmem:s30+$0x0] =	vst.add.f32.msk $0xffff, v3  }
0x3f: {  	s29 =	sor.u32 $0x180, s16;
	s17 =	sor.u32 $0x180, s10;
	s31 =	sor.u32 $0x180, s22;
	[tilespmem:s2+$0x0] =	vst.add.f32.msk $0xffff, v2  }
0x40: {  	s12 =	simm.s32 $0x0;
	s4 =	sor.u32 $0x80, s10;
	s23 =	sor.u32 $0x100, s10;
	[tilespmem:s31+$0x0] =	vst.add.f32.msk $0xffff, v3  }
.LBB2_3:
0x41: {  	s12 =	sadd.s32 $0x4, s12;
	[tilespmem:s16+$0x0] =	vst.add.f32.msk $0xffff, v1  }
0x42: {  	s2 =	sshrl.u32 s12, $0x3;
	[tilespmem:s0+$0x0] =	vst.add.f32.msk $0xffff, v1  }
0x43: {  	s0 =	sand.u32 $0x7, s2;
	s2 =	sshll.u32 s12, $0x1;
	[tilespmem:s28+$0x0] =	vst.add.f32.msk $0xffff, v1  }
0x44: {  	s7 =	sadd.s32 $0x40, s7;
	s16 =	sshll.u32 s0, $0x8;
	s2 =	sand.u32 $0x3FFFFF80, s2;
	[tilespmem:s29+$0x0] =	vst.add.f32.msk $0xffff, v1  }
0x45: {  	s19 =	sand.u32 $0x40, s7;
	p1 =	slt.u32 s12, $0x7C;
	s2 =	sadd.s32 s2, s16;
	[tilespmem:s10+$0x0] =	vst.add.f32.msk $0xffff, v0  }
0x46: {  	s28 =	sor.u32 $0x30, s19;
	s10 =	sor.u32 $0x10, s19;
	s2 =	sadd.s32 $0x10000, s2;
	[tilespmem:s4+$0x0] =	vst.add.f32.msk $0xffff, v0  }
0x47: {  	s29 =	sor.u32 $0x20, s19;
	s4 =	sor.u32 s19, s2;
	s16 =	sor.u32 s28, s2;
	[tilespmem:s23+$0x0] =	vst.add.f32.msk $0xffff, v0  }
0x48: {  	s23 =	sor.u32 s10, s2;
	s2 =	sor.u32 s29, s2;
	v2 =	vld [tilespmem:s16+$0x0]  }
0x49: {  	v3 =	vld [tilespmem:s4+$0x0];
	s4 =	sshll.u32 s12, $0x6  }
0x4a: {  	s0 =	sshll.u32 s0, $0x9;
	s4 =	sand.u32 $0x3FFFF000, s4  }
0x4b: {  	v1 =	vld [tilespmem:s23+$0x0];
	s0 =	sor.u32 s0, s4  }
0x4c: {  	v4 =	vld [tilespmem:s2+$0x0];
	s2 =	sor.u32 s19, s0  }
0x4d: {  	s16 =	sor.u32 s10, s0;
	s4 =	sor.u32 s28, s0;
	[tilespmem:s17+$0x0] =	vst.add.f32.msk $0xffff, v0;
	s10 =	sor.u32 s29, s0  }
0x4e: {  	s19 =	sor.u32 $0x80, s2;
	[tilespmem:s4+$0x0] =	vst.add.f32.msk $0xffff, v2;
	s0 =	sor.u32 $0x80, s4;
	s30 =	sor.u32 $0x100, s2  }
0x4f: {  	s31 =	sor.u32 $0x180, s2;
	s17 =	sor.u32 $0x100, s4;
	s28 =	sor.u32 $0x100, s16;
	[tilespmem:s0+$0x0] =	vst.add.f32.msk $0xffff, v2  }
0x50: {  	s29 =	sor.u32 $0x180, s16;
	s0 =	sor.u32 $0x80, s16;
	[tilespmem:s17+$0x0] =	vst.add.f32.msk $0xffff, v2;
	s17 =	sor.u32 $0x180, s4  }
.Ltmp0:
0x51: {  	s23 =	sor.u32 $0x100, s10;
	s4 =	sor.u32 $0x80, s10;
	[tilespmem:s17+$0x0] =	vst.add.f32.msk $0xffff, v2;
	(pc) =	sbr.rel @p1 .LBB2_3-.Ltmp0, $4  }
0x52: {  	s17 =	sor.u32 $0x180, s10;
	v0 =	vmov v4;
	[tilespmem:s2+$0x0] =	vst.add.f32.msk $0xffff, v3  }
0x53: {  	[tilespmem:s19+$0x0] =	vst.add.f32.msk $0xffff, v3  }
0x54: {  	[tilespmem:s30+$0x0] =	vst.add.f32.msk $0xffff, v3  }
0x55: {  	[tilespmem:s31+$0x0] =	vst.add.f32.msk $0xffff, v3  }
0x56: {  	[tilespmem:s16+$0x0] =	vst.add.f32.msk $0xffff, v1  }
0x57: {  	[tilespmem:s10+$0x0] =	vst.add.f32.msk $0xffff, v0  }
0x58: {  	[tilespmem:s0+$0x0] =	vst.add.f32.msk $0xffff, v1  }
0x59: {  	[tilespmem:s4+$0x0] =	vst.add.f32.msk $0xffff, v0  }
0x5a: {  	[tilespmem:s28+$0x0] =	vst.add.f32.msk $0xffff, v1  }
0x5b: {  	[tilespmem:s23+$0x0] =	vst.add.f32.msk $0xffff, v0  }
0x5c: {  	s20 =	sshll.u32 s15, $0xD;
	s31 =	sor.u32 $0x5, s3;
	[tilespmem:s29+$0x0] =	vst.add.f32.msk $0xffff, v1  }
0x5d: {  	s0 =	sadd.s32 s20, s18;
	s21 =	sshll.u32 s31, $0x1;
	[tilespmem:s17+$0x0] =	vst.add.f32.msk $0xffff, v0  }
0x5e: {  	[hbm4b:s0+s5] =	stream.linear.scatter [tilespmem:s5], [sflag:$0x11], $0x2000, $0x38;
	[tilespmem:$0x14000] =	vst v63  }
0x5f: {  	s2 =	simm.s32 @!p0 $0x16;
	s7 =	simm.s32 $0x0;
	s0 =	sadd.s32 s6, s21  }
0x60: {  	s30 =	simm.s32 $0xA000;
	_ =	swait.ge @!p0 [sflag:s2], $0x2000;
	s22 =	sshll.u32 s0, $0x9  }
0x61: {  	s0 =	sshll.u32 s0, $0x7;
	[sflag:s2] =	ssyncset.done @!p0 $0x0;
	s4 =	sand.u32 $0x1FFFF400, s22  }
0x62: {  	s0 =	sand.u32 $0x1FFFFC00, s0;
	[sflag:s2] =	ssyncadd.s32 @!p0 $0xFFFFE000;
	s23 =	sadd.s32 s1, s4  }
0x63: {  	[tilespmem:s30], [sflag:$0x6] =	stream.linear.gather [hbm4b:s23+s7], $0x2000, $0x38;
	[tilespmem:$0x14000] =	vst v63  }
0x64: {  	s10 =	simm.s32 $0x12800;
	s12 =	simm.s32 $0x2;
	s0 =	sadd.s32 s0, s8  }
0x65: {  	[tilespmem:s10], [sflag:$0xE] =	stream.strided.gather [hbm4b:s0+s24], $0x800, s25, s24, $0x38;
	[tilespmem:$0x14000] =	vst v63  }
0x66: {  	s16 =	simm.s32 $0x0;
	s17 =	simm.s32 $0x0;
	_ =	swait.ge [sflag:s12], $0x2000  }
0x67: {  	s2 =	sand.u32 $0x3FFFFF80, s17;
	s0 =	sand.u32 $0x7, s16;
	[sflag:s12] =	ssyncset.done $0x0  }
0x68: {  	s19 =	sshll.u32 s0, $0x8;
	[sflag:s12] =	ssyncadd.s32 $0xFFFFE000;
	s12 =	simm.s32 $0xA  }
0x69: {  	s10 =	sand.u32 $0x40, s7;
	s2 =	sadd.s32 s2, s19;
	_ =	swait.ge [sflag:s12], $0x800  }
0x6a: {  	s20 =	sor.u32 $0x30, s10;
	s2 =	sadd.s32 $0x10800, s2;
	[sflag:s12] =	ssyncset.done $0x0  }
0x6b: {  	s21 =	sor.u32 s20, s2;
	[sflag:s12] =	ssyncadd.s32 $0xFFFFF800  }
0x6c: {  	s22 =	simm.s32 $0x0;
	s23 =	sor.u32 s10, s2;
	v2 =	vld [tilespmem:s21+$0x0]  }
0x6d: {  	s17 =	sand.u32 $0x3FFFF000, s22;
	s16 =	sor.u32 $0x10, s10;
	s0 =	sshll.u32 s0, $0x9;
	v3 =	vld [tilespmem:s23+$0x0]  }
0x6e: {  	s19 =	sor.u32 $0x20, s10;
	s0 =	sor.u32 s0, s17;
	s30 =	sor.u32 s16, s2  }
0x6f: {  	s0 =	sadd.s32 $0x2000, s0;
	s2 =	sor.u32 s19, s2;
	v1 =	vld [tilespmem:s30+$0x0]  }
0x70: {  	s17 =	sor.u32 s20, s0;
	v0 =	vld [tilespmem:s2+$0x0]  }
0x71: {  	s21 =	sor.u32 s10, s0;
	[tilespmem:s17+$0x0] =	vst.add.f32.msk $0xffff, v2  }
0x72: {  	s4 =	sor.u32 $0x80, s17;
	[tilespmem:s21+$0x0] =	vst.add.f32.msk $0xffff, v3  }
0x73: {  	s22 =	sor.u32 $0x80, s21;
	[tilespmem:s4+$0x0] =	vst.add.f32.msk $0xffff, v2  }
0x74: {  	s20 =	sor.u32 $0x100, s17;
	[tilespmem:s22+$0x0] =	vst.add.f32.msk $0xffff, v3  }
0x75: {  	s12 =	simm.s32 $0x0;
	s2 =	sor.u32 $0x180, s17;
	s23 =	sor.u32 $0x100, s21;
	[tilespmem:s20+$0x0] =	vst.add.f32.msk $0xffff, v2  }
0x76: {  	s10 =	sor.u32 s19, s0;
	s30 =	sor.u32 $0x180, s21;
	s17 =	sor.u32 s16, s0;
	[tilespmem:s23+$0x0] =	vst.add.f32.msk $0xffff, v3  }
0x77: {  	s16 =	sor.u32 $0x100, s10;
	s0 =	sor.u32 $0x80, s17;
	s28 =	sor.u32 $0x100, s17;
	[tilespmem:s2+$0x0] =	vst.add.f32.msk $0xffff, v2  }
0x78: {  	s29 =	sor.u32 $0x180, s17;
	s4 =	sor.u32 $0x80, s10;
	s23 =	sor.u32 $0x180, s10;
	[tilespmem:s30+$0x0] =	vst.add.f32.msk $0xffff, v3  }
.LBB2_5:
0x79: {  	s12 =	sadd.s32 $0x4, s12;
	[tilespmem:s17+$0x0] =	vst.add.f32.msk $0xffff, v1  }
0x7a: {  	s2 =	sshrl.u32 s12, $0x3;
	[tilespmem:s0+$0x0] =	vst.add.f32.msk $0xffff, v1  }
0x7b: {  	s0 =	sand.u32 $0x7, s2;
	s2 =	sshll.u32 s12, $0x1;
	[tilespmem:s28+$0x0] =	vst.add.f32.msk $0xffff, v1  }
0x7c: {  	s7 =	sadd.s32 $0x40, s7;
	s17 =	sshll.u32 s0, $0x8;
	s2 =	sand.u32 $0x3FFFFF80, s2;
	[tilespmem:s29+$0x0] =	vst.add.f32.msk $0xffff, v1  }
0x7d: {  	s19 =	sand.u32 $0x40, s7;
	p1 =	slt.u32 s12, $0x7C;
	s2 =	sadd.s32 s2, s17;
	[tilespmem:s10+$0x0] =	vst.add.f32.msk $0xffff, v0  }
0x7e: {  	s28 =	sor.u32 $0x30, s19;
	s10 =	sor.u32 $0x10, s19;
	s2 =	sadd.s32 $0x10800, s2;
	[tilespmem:s4+$0x0] =	vst.add.f32.msk $0xffff, v0  }
0x7f: {  	s29 =	sor.u32 $0x20, s19;
	s4 =	sor.u32 s19, s2;
	s17 =	sor.u32 s28, s2;
	[tilespmem:s16+$0x0] =	vst.add.f32.msk $0xffff, v0  }
0x80: {  	s16 =	sshll.u32 s12, $0x6;
	s30 =	sor.u32 s10, s2;
	s2 =	sor.u32 s29, s2;
	v2 =	vld [tilespmem:s17+$0x0]  }
0x81: {  	s0 =	sshll.u32 s0, $0x9;
	v3 =	vld [tilespmem:s4+$0x0];
	s4 =	sand.u32 $0x3FFFF000, s16  }
0x82: {  	s0 =	sor.u32 s0, s4  }
0x83: {  	v1 =	vld [tilespmem:s30+$0x0];
	s0 =	sadd.s32 $0x2000, s0  }
0x84: {  	v4 =	vld [tilespmem:s2+$0x0];
	s2 =	sor.u32 s19, s0  }
0x85: {  	s17 =	sor.u32 s10, s0;
	s4 =	sor.u32 s28, s0;
	[tilespmem:s23+$0x0] =	vst.add.f32.msk $0xffff, v0;
	s10 =	sor.u32 s29, s0  }
0x86: {  	s19 =	sor.u32 $0x80, s2;
	[tilespmem:s4+$0x0] =	vst.add.f32.msk $0xffff, v2;
	s0 =	sor.u32 $0x80, s4;
	s30 =	sor.u32 $0x100, s2  }
0x87: {  	s20 =	sor.u32 $0x180, s2;
	s16 =	sor.u32 $0x100, s4;
	s28 =	sor.u32 $0x100, s17;
	[tilespmem:s0+$0x0] =	vst.add.f32.msk $0xffff, v2  }
0x88: {  	s23 =	sor.u32 $0x180, s4;
	s29 =	sor.u32 $0x180, s17;
	s0 =	sor.u32 $0x80, s17;
	[tilespmem:s16+$0x0] =	vst.add.f32.msk $0xffff, v2  }
.Ltmp1:
0x89: {  	s4 =	sor.u32 $0x80, s10;
	s16 =	sor.u32 $0x100, s10;
	[tilespmem:s23+$0x0] =	vst.add.f32.msk $0xffff, v2;
	(pc) =	sbr.rel @p1 .LBB2_5-.Ltmp1, $4  }
0x8a: {  	s23 =	sor.u32 $0x180, s10;
	v0 =	vmov v4;
	[tilespmem:s2+$0x0] =	vst.add.f32.msk $0xffff, v3  }
0x8b: {  	[tilespmem:s19+$0x0] =	vst.add.f32.msk $0xffff, v3  }
0x8c: {  	[tilespmem:s30+$0x0] =	vst.add.f32.msk $0xffff, v3  }
0x8d: {  	[tilespmem:s20+$0x0] =	vst.add.f32.msk $0xffff, v3  }
0x8e: {  	[tilespmem:s17+$0x0] =	vst.add.f32.msk $0xffff, v1  }
0x8f: {  	[tilespmem:s10+$0x0] =	vst.add.f32.msk $0xffff, v0  }
0x90: {  	[tilespmem:s0+$0x0] =	vst.add.f32.msk $0xffff, v1  }
0x91: {  	s7 =	sshll.u32 s15, $0x4;
	[tilespmem:s4+$0x0] =	vst.add.f32.msk $0xffff, v0  }
0x92: {  	s17 =	sadd.s32 s7, s6;
	[tilespmem:s28+$0x0] =	vst.add.f32.msk $0xffff, v1  }
0x93: {  	s2 =	rddreg [dreg:$0x2];
	s0 =	sshll.u32 s17, $0x9;
	[tilespmem:s16+$0x0] =	vst.add.f32.msk $0xffff, v0  }
0x94: {  	s12 =	sor.u32 $0x6, s3;
	[tilespmem:s29+$0x0] =	vst.add.f32.msk $0xffff, v1;
	s17 =	sadd.s32 s2, s0  }
0x95: {  	s19 =	simm.s32 $0x2000;
	s20 =	sshll.u32 s12, $0x1;
	[tilespmem:s23+$0x0] =	vst.add.f32.msk $0xffff, v0;
	s0 =	sadd.s32 $0x400, s17  }
0x96: {  	[hbm4b:s0+s5] =	stream.linear.scatter [tilespmem:s19], [sflag:$0x12], $0x2000, $0x38;
	[tilespmem:$0x14000] =	vst v63  }
0x97: {  	s2 =	simm.s32 @!p0 $0x17;
	s0 =	sadd.s32 s6, s20  }
0x98: {  	s23 =	simm.s32 $0x0;
	_ =	swait.ge @!p0 [sflag:s2], $0x2000;
	s21 =	sshll.u32 s0, $0x9  }
0x99: {  	s0 =	sshll.u32 s0, $0x7;
	[sflag:s2] =	ssyncset.done @!p0 $0x0;
	s4 =	sand.u32 $0x1FFFF800, s21  }
0x9a: {  	s0 =	sand.u32 $0x1FFFFC00, s0;
	[sflag:s2] =	ssyncadd.s32 @!p0 $0xFFFFE000;
	s22 =	sadd.s32 s1, s4  }
0x9b: {  	[tilespmem:s26], [sflag:$0x7] =	stream.linear.gather [hbm4b:s22+s23], $0x2000, $0x38;
	[tilespmem:$0x14000] =	vst v63  }
0x9c: {  	s0 =	sadd.s32 s0, s13;
	s2 =	simm.s32 $0x3;
	s26 =	simm.s32 $0x13000  }
0x9d: {  	[tilespmem:s26], [sflag:$0xF] =	stream.strided.gather [hbm4b:s0+s24], $0x800, s25, s24, $0x38;
	[tilespmem:$0x14000] =	vst v63  }
0x9e: {  	s10 =	simm.s32 $0x0;
	s16 =	simm.s32 $0x0;
	_ =	swait.ge [sflag:s2], $0x2000  }
0x9f: {  	s20 =	simm.s32 $0xB;
	s0 =	sand.u32 $0x7, s10;
	[sflag:s2] =	ssyncset.done $0x0  }
0xa0: {  	s19 =	sshll.u32 s0, $0x8;
	[sflag:s2] =	ssyncadd.s32 $0xFFFFE000;
	s2 =	sand.u32 $0x3FFFFF80, s16  }
0xa1: {  	s10 =	sand.u32 $0x40, s23;
	_ =	swait.ge [sflag:s20], $0x800;
	s2 =	sadd.s32 s2, s19  }
0xa2: {  	s21 =	sor.u32 $0x30, s10;
	[sflag:s20] =	ssyncset.done $0x0;
	s2 =	sadd.s32 $0x11000, s2  }
0xa3: {  	[sflag:s20] =	ssyncadd.s32 $0xFFFFF800;
	s22 =	sor.u32 s21, s2  }
0xa4: {  	s20 =	simm.s32 $0x0;
	s26 =	sor.u32 s10, s2;
	v2 =	vld [tilespmem:s22+$0x0]  }
0xa5: {  	s0 =	sshll.u32 s0, $0x9;
	s19 =	sor.u32 $0x10, s10;
	s20 =	sand.u32 $0x3FFFF000, s20;
	v3 =	vld [tilespmem:s26+$0x0]  }
0xa6: {  	s28 =	sor.u32 $0x20, s10;
	s29 =	sor.u32 s19, s2;
	s0 =	sor.u32 s0, s20  }
0xa7: {  	s2 =	sor.u32 s28, s2;
	v1 =	vld [tilespmem:s29+$0x0];
	s0 =	sadd.s32 $0x4000, s0  }
0xa8: {  	v0 =	vld [tilespmem:s2+$0x0];
	s20 =	sor.u32 s21, s0  }
0xa9: {  	s10 =	sor.u32 s10, s0;
	[tilespmem:s20+$0x0] =	vst.add.f32.msk $0xffff, v2  }
0xaa: {  	s4 =	sor.u32 $0x80, s20;
	[tilespmem:s10+$0x0] =	vst.add.f32.msk $0xffff, v3  }
0xab: {  	s22 =	sor.u32 $0x80, s10;
	[tilespmem:s4+$0x0] =	vst.add.f32.msk $0xffff, v2  }
0xac: {  	s21 =	sor.u32 $0x100, s20;
	[tilespmem:s22+$0x0] =	vst.add.f32.msk $0xffff, v3  }
0xad: {  	s29 =	simm.s32 $0x0;
	s16 =	sor.u32 s28, s0;
	s26 =	sor.u32 $0x100, s10;
	[tilespmem:s21+$0x0] =	vst.add.f32.msk $0xffff, v2  }
0xae: {  	s2 =	sor.u32 $0x180, s20;
	s30 =	sor.u32 $0x80, s16;
	s4 =	sor.u32 s19, s0;
	[tilespmem:s26+$0x0] =	vst.add.f32.msk $0xffff, v3  }
0xaf: {  	s28 =	sor.u32 $0x100, s16;
	s10 =	sor.u32 $0x180, s10;
	s19 =	sor.u32 $0x80, s4;
	[tilespmem:s2+$0x0] =	vst.add.f32.msk $0xffff, v2  }
0xb0: {  	s0 =	sor.u32 $0x100, s4;
	s2 =	sor.u32 $0x180, s4;
	[tilespmem:s10+$0x0] =	vst.add.f32.msk $0xffff, v3;
	s10 =	sor.u32 $0x180, s16  }
.LBB2_7:
0xb1: {  	s29 =	sadd.s32 $0x4, s29;
	[tilespmem:s4+$0x0] =	vst.add.f32.msk $0xffff, v1  }
0xb2: {  	s4 =	sshrl.u32 s29, $0x3;
	[tilespmem:s19+$0x0] =	vst.add.f32.msk $0xffff, v1  }
0xb3: {  	s19 =	sshll.u32 s29, $0x1;
	s4 =	sand.u32 $0x7, s4;
	[tilespmem:s0+$0x0] =	vst.add.f32.msk $0xffff, v1  }
0xb4: {  	s23 =	sadd.s32 $0x40, s23;
	s19 =	sand.u32 $0x3FFFFF80, s19;
	s0 =	sshll.u32 s4, $0x8;
	[tilespmem:s2+$0x0] =	vst.add.f32.msk $0xffff, v1  }
0xb5: {  	p1 =	slt.u32 s29, $0x7C;
	s2 =	sand.u32 $0x40, s23;
	s0 =	sadd.s32 s19, s0;
	[tilespmem:s16+$0x0] =	vst.add.f32.msk $0xffff, v0  }
0xb6: {  	s16 =	sor.u32 $0x10, s2;
	s19 =	sor.u32 $0x30, s2;
	s0 =	sadd.s32 $0x11000, s0;
	[tilespmem:s30+$0x0] =	vst.add.f32.msk $0xffff, v0  }
0xb7: {  	s30 =	sor.u32 $0x20, s2;
	s20 =	sor.u32 s2, s0;
	s21 =	sor.u32 s19, s0;
	[tilespmem:s28+$0x0] =	vst.add.f32.msk $0xffff, v0  }
0xb8: {  	s28 =	sshll.u32 s29, $0x6;
	s22 =	sor.u32 s16, s0;
	s0 =	sor.u32 s30, s0;
	v2 =	vld [tilespmem:s21+$0x0]  }
0xb9: {  	s4 =	sshll.u32 s4, $0x9;
	v3 =	vld [tilespmem:s20+$0x0];
	s20 =	sand.u32 $0x3FFFF000, s28  }
0xba: {  	s4 =	sor.u32 s4, s20  }
0xbb: {  	v1 =	vld [tilespmem:s22+$0x0];
	s20 =	sadd.s32 $0x4000, s4  }
0xbc: {  	v4 =	vld [tilespmem:s0+$0x0];
	s21 =	sor.u32 s2, s20  }
0xbd: {  	s4 =	sor.u32 s16, s20;
	s2 =	sor.u32 s19, s20;
	[tilespmem:s10+$0x0] =	vst.add.f32.msk $0xffff, v0;
	s16 =	sor.u32 s30, s20  }
0xbe: {  	s22 =	sor.u32 $0x80, s21;
	[tilespmem:s2+$0x0] =	vst.add.f32.msk $0xffff, v2;
	s0 =	sor.u32 $0x80, s2;
	s20 =	sor.u32 $0x100, s21  }
0xbf: {  	s26 =	sor.u32 $0x180, s21;
	s10 =	sor.u32 $0x100, s2;
	s19 =	sor.u32 $0x80, s4;
	[tilespmem:s0+$0x0] =	vst.add.f32.msk $0xffff, v2  }
0xc0: {  	s30 =	sor.u32 $0x80, s16;
	s0 =	sor.u32 $0x100, s4;
	[tilespmem:s10+$0x0] =	vst.add.f32.msk $0xffff, v2;
	s10 =	sor.u32 $0x180, s2  }
.Ltmp2:
0xc1: {  	s28 =	sor.u32 $0x100, s16;
	s2 =	sor.u32 $0x180, s4;
	[tilespmem:s10+$0x0] =	vst.add.f32.msk $0xffff, v2;
	(pc) =	sbr.rel @p1 .LBB2_7-.Ltmp2, $4  }
0xc2: {  	s10 =	sor.u32 $0x180, s16;
	v0 =	vmov v4;
	[tilespmem:s21+$0x0] =	vst.add.f32.msk $0xffff, v3  }
0xc3: {  	[tilespmem:s22+$0x0] =	vst.add.f32.msk $0xffff, v3  }
0xc4: {  	[tilespmem:s20+$0x0] =	vst.add.f32.msk $0xffff, v3  }
0xc5: {  	[tilespmem:s26+$0x0] =	vst.add.f32.msk $0xffff, v3  }
0xc6: {  	[tilespmem:s4+$0x0] =	vst.add.f32.msk $0xffff, v1  }
0xc7: {  	[tilespmem:s16+$0x0] =	vst.add.f32.msk $0xffff, v0  }
0xc8: {  	[tilespmem:s19+$0x0] =	vst.add.f32.msk $0xffff, v1  }
0xc9: {  	[tilespmem:s30+$0x0] =	vst.add.f32.msk $0xffff, v0  }
0xca: {  	[tilespmem:s0+$0x0] =	vst.add.f32.msk $0xffff, v1  }
0xcb: {  	s3 =	sor.u32 $0x7, s3;
	[tilespmem:s28+$0x0] =	vst.add.f32.msk $0xffff, v0  }
0xcc: {  	s16 =	sadd.s32 $0x800, s17;
	s23 =	simm.s32 $0x0;
	s20 =	sshll.u32 s3, $0x1;
	[tilespmem:s2+$0x0] =	vst.add.f32.msk $0xffff, v1  }
0xcd: {  	s19 =	simm.s32 $0x4000;
	s0 =	sadd.s32 s6, s20;
	[tilespmem:s10+$0x0] =	vst.add.f32.msk $0xffff, v0;
	s2 =	simm.s32 @!p0 $0x18  }
0xce: {  	[hbm4b:s16+s5] =	stream.linear.scatter [tilespmem:s19], [sflag:$0x13], $0x2000, $0x38;
	[tilespmem:$0x14000] =	vst v63  }
0xcf: {  	s26 =	simm.s32 $0xE000;
	s21 =	sshll.u32 s0, $0x9;
	_ =	swait.ge @!p0 [sflag:s2], $0x2000  }
0xd0: {  	s0 =	sshll.u32 s0, $0x7;
	s4 =	sand.u32 $0x1FFFFC00, s21;
	[sflag:s2] =	ssyncset.done @!p0 $0x0  }
0xd1: {  	s0 =	sand.u32 $0x1FFFFC00, s0;
	s22 =	sadd.s32 s1, s4;
	[sflag:s2] =	ssyncadd.s32 @!p0 $0xFFFFE000  }
0xd2: {  	[tilespmem:s26], [sflag:$0x8] =	stream.linear.gather [hbm4b:s22+s23], $0x2000, $0x38;
	[tilespmem:$0x14000] =	vst v63  }
0xd3: {  	s10 =	simm.s32 $0x4;
	s0 =	sadd.s32 s0, s14;
	s4 =	simm.s32 $0x13800  }
0xd4: {  	[tilespmem:s4], [sflag:$0x10] =	stream.strided.gather [hbm4b:s0+s24], $0x800, s25, s24, $0x38;
	[tilespmem:$0x14000] =	vst v63  }
0xd5: {  	s16 =	simm.s32 $0x0;
	s19 =	simm.s32 $0x0;
	_ =	swait.ge [sflag:s10], $0x2000  }
0xd6: {  	s21 =	simm.s32 $0xC;
	s0 =	sand.u32 $0x7, s16;
	[sflag:s10] =	ssyncset.done $0x0  }
0xd7: {  	s2 =	sand.u32 $0x3FFFFF80, s19;
	s20 =	sshll.u32 s0, $0x8;
	[sflag:s10] =	ssyncadd.s32 $0xFFFFE000  }
0xd8: {  	s2 =	sadd.s32 s2, s20;
	s10 =	sand.u32 $0x40, s23;
	_ =	swait.ge [sflag:s21], $0x800  }
0xd9: {  	s2 =	sadd.s32 $0x11800, s2;
	s4 =	sor.u32 $0x30, s10;
	[sflag:s21] =	ssyncset.done $0x0  }
0xda: {  	s22 =	sor.u32 s4, s2;
	[sflag:s21] =	ssyncadd.s32 $0xFFFFF800  }
0xdb: {  	s20 =	simm.s32 $0x0;
	s26 =	sor.u32 s10, s2;
	v2 =	vld [tilespmem:s22+$0x0]  }
0xdc: {  	s0 =	sshll.u32 s0, $0x9;
	s20 =	sand.u32 $0x3FFFF000, s20;
	s19 =	sor.u32 $0x10, s10;
	v3 =	vld [tilespmem:s26+$0x0]  }
0xdd: {  	s0 =	sor.u32 s0, s20;
	s21 =	sor.u32 $0x20, s10;
	s22 =	sor.u32 s19, s2  }
0xde: {  	s0 =	sadd.s32 $0x6000, s0;
	s2 =	sor.u32 s21, s2;
	v1 =	vld [tilespmem:s22+$0x0]  }
0xdf: {  	s16 =	sor.u32 s4, s0;
	v0 =	vld [tilespmem:s2+$0x0]  }
0xe0: {  	s10 =	sor.u32 s10, s0;
	[tilespmem:s16+$0x0] =	vst.add.f32.msk $0xffff, v2  }
0xe1: {  	s4 =	sor.u32 $0x80, s16;
	[tilespmem:s10+$0x0] =	vst.add.f32.msk $0xffff, v3  }
0xe2: {  	s22 =	sor.u32 $0x80, s10;
	[tilespmem:s4+$0x0] =	vst.add.f32.msk $0xffff, v2  }
0xe3: {  	s20 =	sor.u32 $0x100, s16;
	[tilespmem:s22+$0x0] =	vst.add.f32.msk $0xffff, v3  }
0xe4: {  	s29 =	simm.s32 $0x0;
	s26 =	sor.u32 $0x100, s10;
	s2 =	sor.u32 $0x180, s16;
	[tilespmem:s20+$0x0] =	vst.add.f32.msk $0xffff, v2  }
0xe5: {  	s16 =	sor.u32 s21, s0;
	s10 =	sor.u32 $0x180, s10;
	s4 =	sor.u32 s19, s0;
	[tilespmem:s26+$0x0] =	vst.add.f32.msk $0xffff, v3  }
0xe6: {  	s30 =	sor.u32 $0x80, s16;
	s28 =	sor.u32 $0x100, s16;
	s19 =	sor.u32 $0x80, s4;
	[tilespmem:s2+$0x0] =	vst.add.f32.msk $0xffff, v2  }
0xe7: {  	s0 =	sor.u32 $0x100, s4;
	s2 =	sor.u32 $0x180, s4;
	[tilespmem:s10+$0x0] =	vst.add.f32.msk $0xffff, v3;
	s10 =	sor.u32 $0x180, s16  }
.LBB2_9:
0xe8: {  	s29 =	sadd.s32 $0x4, s29;
	[tilespmem:s4+$0x0] =	vst.add.f32.msk $0xffff, v1  }
0xe9: {  	s4 =	sshrl.u32 s29, $0x3;
	[tilespmem:s19+$0x0] =	vst.add.f32.msk $0xffff, v1  }
0xea: {  	s19 =	sshll.u32 s29, $0x1;
	s4 =	sand.u32 $0x7, s4;
	[tilespmem:s0+$0x0] =	vst.add.f32.msk $0xffff, v1  }
0xeb: {  	s23 =	sadd.s32 $0x40, s23;
	s19 =	sand.u32 $0x3FFFFF80, s19;
	s0 =	sshll.u32 s4, $0x8;
	[tilespmem:s2+$0x0] =	vst.add.f32.msk $0xffff, v1  }
0xec: {  	p0 =	slt.u32 s29, $0x7C;
	s2 =	sand.u32 $0x40, s23;
	s0 =	sadd.s32 s19, s0;
	[tilespmem:s16+$0x0] =	vst.add.f32.msk $0xffff, v0  }
0xed: {  	s16 =	sor.u32 $0x10, s2;
	s19 =	sor.u32 $0x30, s2;
	s0 =	sadd.s32 $0x11800, s0;
	[tilespmem:s30+$0x0] =	vst.add.f32.msk $0xffff, v0  }
0xee: {  	s21 =	sor.u32 $0x20, s2;
	s20 =	sor.u32 s2, s0;
	s22 =	sor.u32 s19, s0;
	[tilespmem:s28+$0x0] =	vst.add.f32.msk $0xffff, v0  }
0xef: {  	s26 =	sshll.u32 s29, $0x6;
	s28 =	sor.u32 s16, s0;
	s0 =	sor.u32 s21, s0;
	v2 =	vld [tilespmem:s22+$0x0]  }
0xf0: {  	s4 =	sshll.u32 s4, $0x9;
	v3 =	vld [tilespmem:s20+$0x0];
	s20 =	sand.u32 $0x3FFFF000, s26  }
0xf1: {  	s4 =	sor.u32 s4, s20  }
0xf2: {  	v1 =	vld [tilespmem:s28+$0x0];
	s20 =	sadd.s32 $0x6000, s4  }
0xf3: {  	v4 =	vld [tilespmem:s0+$0x0];
	s22 =	sor.u32 s2, s20  }
0xf4: {  	s4 =	sor.u32 s16, s20;
	s2 =	sor.u32 s19, s20;
	[tilespmem:s10+$0x0] =	vst.add.f32.msk $0xffff, v0;
	s16 =	sor.u32 s21, s20  }
0xf5: {  	s26 =	sor.u32 $0x80, s22;
	[tilespmem:s2+$0x0] =	vst.add.f32.msk $0xffff, v2;
	s0 =	sor.u32 $0x80, s2;
	s20 =	sor.u32 $0x100, s22  }
0xf6: {  	s21 =	sor.u32 $0x180, s22;
	s10 =	sor.u32 $0x100, s2;
	s19 =	sor.u32 $0x80, s4;
	[tilespmem:s0+$0x0] =	vst.add.f32.msk $0xffff, v2  }
0xf7: {  	s30 =	sor.u32 $0x80, s16;
	s0 =	sor.u32 $0x100, s4;
	[tilespmem:s10+$0x0] =	vst.add.f32.msk $0xffff, v2;
	s10 =	sor.u32 $0x180, s2  }
.Ltmp3:
0xf8: {  	s28 =	sor.u32 $0x100, s16;
	s2 =	sor.u32 $0x180, s4;
	[tilespmem:s10+$0x0] =	vst.add.f32.msk $0xffff, v2;
	(pc) =	sbr.rel @p0 .LBB2_9-.Ltmp3, $4  }
0xf9: {  	s10 =	sor.u32 $0x180, s16;
	v0 =	vmov v4;
	[tilespmem:s22+$0x0] =	vst.add.f32.msk $0xffff, v3  }
0xfa: {  	[tilespmem:s26+$0x0] =	vst.add.f32.msk $0xffff, v3  }
0xfb: {  	[tilespmem:s20+$0x0] =	vst.add.f32.msk $0xffff, v3  }
0xfc: {  	[tilespmem:s21+$0x0] =	vst.add.f32.msk $0xffff, v3  }
0xfd: {  	[tilespmem:s4+$0x0] =	vst.add.f32.msk $0xffff, v1  }
0xfe: {  	[tilespmem:s16+$0x0] =	vst.add.f32.msk $0xffff, v0  }
0xff: {  	[tilespmem:s19+$0x0] =	vst.add.f32.msk $0xffff, v1  }
0x100: {  	[tilespmem:s30+$0x0] =	vst.add.f32.msk $0xffff, v0  }
0x101: {  	[tilespmem:s0+$0x0] =	vst.add.f32.msk $0xffff, v1  }
0x102: {  	[tilespmem:s28+$0x0] =	vst.add.f32.msk $0xffff, v0  }
0x103: {  	[tilespmem:s2+$0x0] =	vst.add.f32.msk $0xffff, v1  }
0x104: {  	s4 =	sadd.s32 $0xC00, s17;
	s16 =	simm.s32 $0x11;
	[tilespmem:s10+$0x0] =	vst.add.f32.msk $0xffff, v0;
	s10 =	simm.s32 $0x6000  }
0x105: {  	[hbm4b:s4+s5] =	stream.linear.scatter [tilespmem:s10], [sflag:$0x14], $0x2000, $0x38;
	[tilespmem:$0x14000] =	vst v63  }
0x106: {  	_ =	swait.ge [sflag:s16], $0x2000  }
0x107: {  	p0 =	seq.s32 s15, $0xF;
	s17 =	simm.s32 $0x5;
	s0 =	rddreg [dreg:$0xc]  }
0x108: {  	s20 =	simm.s32 $0x0;
	s4 =	simm.s32 @!p0 $0x0;
	s0 =	sadd.s32 @!p0 s7, s0  }
0x109: {  	s10 =	simm.s32 @!p0 $0x10000;
	[sflag:s16] =	ssyncset.done $0x0;
	s2 =	sshll.u32 @!p0 s0, $0x9  }
0x10a: {  	[sflag:s16] =	ssyncadd.s32 $0xFFFFE000;
	s0 =	sshll.u32 @!p0 s0, $0x7;
	s2 =	sadd.s32 @!p0 s1, s2  }
0x10b: {  	[tilespmem:s4], [sflag:$0x1] =	stream.linear.gather @!p0 [hbm4b:s2+s4], $0x2000, $0x38;
	[tilespmem:$0x14000] =	vst v63  }
0x10c: {  	s0 =	sadd.s32 @!p0 s9, s0;
	s2 =	simm.s32 @!p0 $0x100;
	s4 =	simm.s32 @!p0 $0x400  }
0x10d: {  	[tilespmem:s10], [sflag:$0x9] =	stream.strided.gather @!p0 [hbm4b:s0+s2], $0x800, s4, s2, $0x38;
	[tilespmem:$0x14000] =	vst v63  }
0x10e: {  	s22 =	simm.s32 $0xD;
	s19 =	simm.s32 $0x0;
	_ =	swait.ge [sflag:s17], $0x2000  }
0x10f: {  	s0 =	sand.u32 $0x7, s19;
	s2 =	sand.u32 $0x3FFFFF80, s20;
	[sflag:s17] =	ssyncset.done $0x0  }
0x110: {  	s21 =	sshll.u32 s0, $0x8;
	[sflag:s17] =	ssyncadd.s32 $0xFFFFE000;
	s17 =	simm.s32 $0x0  }
0x111: {  	s2 =	sadd.s32 s2, s21;
	_ =	swait.ge [sflag:s22], $0x800;
	s10 =	sand.u32 $0x40, s17  }
0x112: {  	s2 =	sadd.s32 $0x12000, s2;
	[sflag:s22] =	ssyncset.done $0x0;
	s23 =	sor.u32 $0x30, s10  }
0x113: {  	[sflag:s22] =	ssyncadd.s32 $0xFFFFF800;
	s26 =	sor.u32 s23, s2  }
0x114: {  	s30 =	smov.u32 s9;
	s20 =	simm.s32 $0x0;
	s9 =	sor.u32 s10, s2;
	v2 =	vld [tilespmem:s26+$0x0]  }
0x115: {  	s20 =	sand.u32 $0x3FFFF000, s20;
	s0 =	sshll.u32 s0, $0x9;
	s19 =	sor.u32 $0x10, s10;
	v3 =	vld [tilespmem:s9+$0x0]  }
0x116: {  	s0 =	sor.u32 s0, s20;
	s21 =	sor.u32 $0x20, s10;
	s22 =	sor.u32 s19, s2  }
0x117: {  	s0 =	sadd.s32 $0x8000, s0;
	s2 =	sor.u32 s21, s2;
	v1 =	vld [tilespmem:s22+$0x0]  }
0x118: {  	s23 =	sor.u32 s23, s0;
	v0 =	vld [tilespmem:s2+$0x0]  }
0x119: {  	s9 =	sor.u32 s10, s0;
	[tilespmem:s23+$0x0] =	vst.add.f32.msk $0xffff, v2  }
0x11a: {  	s4 =	sor.u32 $0x80, s23;
	[tilespmem:s9+$0x0] =	vst.add.f32.msk $0xffff, v3  }
0x11b: {  	s20 =	sor.u32 $0x80, s9;
	[tilespmem:s4+$0x0] =	vst.add.f32.msk $0xffff, v2  }
0x11c: {  	s26 =	sor.u32 $0x100, s23;
	[tilespmem:s20+$0x0] =	vst.add.f32.msk $0xffff, v3  }
0x11d: {  	s2 =	sor.u32 $0x180, s23;
	s10 =	sor.u32 s21, s0;
	s22 =	sor.u32 $0x100, s9;
	[tilespmem:s26+$0x0] =	vst.add.f32.msk $0xffff, v2  }
0x11e: {  	s28 =	sor.u32 $0x80, s10;
	s16 =	sor.u32 $0x100, s10;
	s29 =	sor.u32 $0x180, s10;
	[tilespmem:s22+$0x0] =	vst.add.f32.msk $0xffff, v3  }
0x11f: {  	s23 =	simm.s32 $0x0;
	s4 =	sor.u32 s19, s0;
	s26 =	sor.u32 $0x180, s9;
	[tilespmem:s2+$0x0] =	vst.add.f32.msk $0xffff, v2  }
0x120: {  	s19 =	sor.u32 $0x80, s4;
	s0 =	sor.u32 $0x100, s4;
	s2 =	sor.u32 $0x180, s4;
	[tilespmem:s26+$0x0] =	vst.add.f32.msk $0xffff, v3  }
.LBB2_11:
0x121: {  	s23 =	sadd.s32 $0x4, s23;
	[tilespmem:s4+$0x0] =	vst.add.f32.msk $0xffff, v1  }
0x122: {  	s17 =	sadd.s32 $0x40, s17;
	s4 =	sshrl.u32 s23, $0x3;
	[tilespmem:s19+$0x0] =	vst.add.f32.msk $0xffff, v1  }
0x123: {  	s19 =	sshll.u32 s23, $0x1;
	p1 =	slt.u32 s23, $0x7C;
	s4 =	sand.u32 $0x7, s4;
	[tilespmem:s0+$0x0] =	vst.add.f32.msk $0xffff, v1  }
0x124: {  	s19 =	sand.u32 $0x3FFFFF80, s19;
	s0 =	sshll.u32 s4, $0x8;
	[tilespmem:s2+$0x0] =	vst.add.f32.msk $0xffff, v1;
	s2 =	sand.u32 $0x40, s17  }
0x125: {  	s4 =	sshll.u32 s4, $0x9;
	s0 =	sadd.s32 s19, s0;
	[tilespmem:s10+$0x0] =	vst.add.f32.msk $0xffff, v0;
	s10 =	sor.u32 $0x10, s2  }
0x126: {  	s19 =	sor.u32 $0x30, s2;
	s21 =	sor.u32 $0x20, s2;
	s0 =	sadd.s32 $0x12000, s0;
	[tilespmem:s28+$0x0] =	vst.add.f32.msk $0xffff, v0  }
0x127: {  	s20 =	sor.u32 s2, s0;
	s22 =	sor.u32 s19, s0;
	[tilespmem:s16+$0x0] =	vst.add.f32.msk $0xffff, v0;
	s16 =	sshll.u32 s23, $0x6  }
0x128: {  	s26 =	sor.u32 s10, s0;
	s0 =	sor.u32 s21, s0;
	v2 =	vld [tilespmem:s22+$0x0];
	s16 =	sand.u32 $0x3FFFF000, s16  }
0x129: {  	v3 =	vld [tilespmem:s20+$0x0];
	s4 =	sor.u32 s4, s16  }
0x12a: {  	v1 =	vld [tilespmem:s26+$0x0];
	s16 =	sadd.s32 $0x8000, s4  }
0x12b: {  	v4 =	vld [tilespmem:s0+$0x0];
	s20 =	sor.u32 s2, s16  }
0x12c: {  	s4 =	sor.u32 s10, s16;
	s2 =	sor.u32 s19, s16;
	s10 =	sor.u32 s21, s16;
	[tilespmem:s29+$0x0] =	vst.add.f32.msk $0xffff, v0  }
0x12d: {  	s22 =	sor.u32 $0x80, s20;
	s0 =	sor.u32 $0x80, s2;
	s21 =	sor.u32 $0x100, s20;
	[tilespmem:s2+$0x0] =	vst.add.f32.msk $0xffff, v2  }
0x12e: {  	s26 =	sor.u32 $0x180, s20;
	s16 =	sor.u32 $0x100, s2;
	s19 =	sor.u32 $0x80, s4;
	[tilespmem:s0+$0x0] =	vst.add.f32.msk $0xffff, v2  }
0x12f: {  	s29 =	sor.u32 $0x180, s2;
	s28 =	sor.u32 $0x80, s10;
	s0 =	sor.u32 $0x100, s4;
	[tilespmem:s16+$0x0] =	vst.add.f32.msk $0xffff, v2  }
.Ltmp4:
0x130: {  	s2 =	sor.u32 $0x180, s4;
	s16 =	sor.u32 $0x100, s10;
	[tilespmem:s29+$0x0] =	vst.add.f32.msk $0xffff, v2;
	(pc) =	sbr.rel @p1 .LBB2_11-.Ltmp4, $4  }
0x131: {  	s29 =	sor.u32 $0x180, s10;
	v0 =	vmov v4;
	[tilespmem:s20+$0x0] =	vst.add.f32.msk $0xffff, v3  }
0x132: {  	[tilespmem:s22+$0x0] =	vst.add.f32.msk $0xffff, v3  }
0x133: {  	[tilespmem:s21+$0x0] =	vst.add.f32.msk $0xffff, v3  }
0x134: {  	[tilespmem:s26+$0x0] =	vst.add.f32.msk $0xffff, v3  }
0x135: {  	[tilespmem:s4+$0x0] =	vst.add.f32.msk $0xffff, v1  }
0x136: {  	[tilespmem:s10+$0x0] =	vst.add.f32.msk $0xffff, v0  }
0x137: {  	[tilespmem:s19+$0x0] =	vst.add.f32.msk $0xffff, v1  }
0x138: {  	[tilespmem:s28+$0x0] =	vst.add.f32.msk $0xffff, v0  }
0x139: {  	[tilespmem:s0+$0x0] =	vst.add.f32.msk $0xffff, v1  }
0x13a: {  	[tilespmem:s16+$0x0] =	vst.add.f32.msk $0xffff, v0  }
0x13b: {  	s26 =	sshll.u32 s11, $0xA;
	[tilespmem:s2+$0x0] =	vst.add.f32.msk $0xffff, v1  }
0x13c: {  	s9 =	simm.s32 $0x8000;
	s0 =	sadd.s32 s26, s18;
	[tilespmem:s29+$0x0] =	vst.add.f32.msk $0xffff, v0;
	s29 =	simm.s32 $0x12  }
0x13d: {  	[hbm4b:s0+s5] =	stream.linear.scatter [tilespmem:s9], [sflag:$0x15], $0x2000, $0x38;
	[tilespmem:$0x14000] =	vst v63  }
0x13e: {  	_ =	swait.ge [sflag:s29], $0x2000  }
0x13f: {  	s0 =	rddreg [dreg:$0xd]  }
0x140: {  	s4 =	simm.s32 @!p0 $0x0;
	s10 =	simm.s32 @!p0 $0x2000;
	s0 =	sadd.s32 @!p0 s7, s0  }
0x141: {  	[sflag:s29] =	ssyncset.done $0x0;
	s2 =	sshll.u32 @!p0 s0, $0x9;
	s0 =	sshll.u32 @!p0 s0, $0x7  }
0x142: {  	[sflag:s29] =	ssyncadd.s32 $0xFFFFE000;
	s2 =	sadd.s32 @!p0 s1, s2;
	s0 =	sand.u32 @!p0 $0x1FF800, s0  }
0x143: {  	[tilespmem:s10], [sflag:$0x2] =	stream.linear.gather @!p0 [hbm4b:s2+s4], $0x2000, $0x38;
	[tilespmem:$0x14000] =	vst v63  }
0x144: {  	s0 =	sadd.s32 @!p0 s0, s8  }
0x145: {  	s2 =	simm.s32 @!p0 $0x100;
	s4 =	simm.s32 @!p0 $0x400;
	s10 =	simm.s32 @!p0 $0x10800  }
0x146: {  	[tilespmem:s10], [sflag:$0xA] =	stream.strided.gather @!p0 [hbm4b:s0+s2], $0x800, s4, s2, $0x38;
	[tilespmem:$0x14000] =	vst v63  }
0x147: {  	s0 =	simm.s32 $0x6  }
0x148: {  	_ =	swait.ge [sflag:s0], $0x2000  }
0x149: {  	s11 =	simm.s32 $0x0;
	s4 =	simm.s32 $0x0;
	[sflag:s0] =	ssyncset.done $0x0  }
0x14a: {  	s10 =	simm.s32 $0x0;
	[sflag:s0] =	ssyncadd.s32 $0xFFFFE000;
	s0 =	sand.u32 $0x7, s4  }
0x14b: {  	s17 =	simm.s32 $0xE;
	s2 =	sand.u32 $0x3FFFFF80, s10;
	s16 =	sshll.u32 s0, $0x8  }
0x14c: {  	s19 =	sand.u32 $0x40, s11;
	_ =	swait.ge [sflag:s17], $0x800;
	s2 =	sadd.s32 s2, s16  }
0x14d: {  	s22 =	sor.u32 $0x30, s19;
	[sflag:s17] =	ssyncset.done $0x0;
	s2 =	sadd.s32 $0x12800, s2  }
0x14e: {  	[sflag:s17] =	ssyncadd.s32 $0xFFFFF800;
	s23 =	sor.u32 s22, s2  }
0x14f: {  	s17 =	simm.s32 $0x0;
	s29 =	sor.u32 s19, s2;
	v2 =	vld [tilespmem:s23+$0x0]  }
0x150: {  	s26 =	sor.u32 $0x10, s19;
	s0 =	sshll.u32 s0, $0x9;
	s17 =	sand.u32 $0x3FFFF000, s17;
	v3 =	vld [tilespmem:s29+$0x0]  }
0x151: {  	s20 =	sor.u32 $0x20, s19;
	s21 =	sor.u32 s26, s2;
	s0 =	sor.u32 s0, s17  }
0x152: {  	s2 =	sor.u32 s20, s2;
	v1 =	vld [tilespmem:s21+$0x0];
	s0 =	sadd.s32 $0xA000, s0  }
0x153: {  	v0 =	vld [tilespmem:s2+$0x0];
	s17 =	sor.u32 s22, s0  }
0x154: {  	s22 =	sor.u32 s19, s0;
	[tilespmem:s17+$0x0] =	vst.add.f32.msk $0xffff, v2  }
0x155: {  	s4 =	sor.u32 $0x80, s17;
	[tilespmem:s22+$0x0] =	vst.add.f32.msk $0xffff, v3  }
0x156: {  	s23 =	sor.u32 $0x80, s22;
	[tilespmem:s4+$0x0] =	vst.add.f32.msk $0xffff, v2  }
0x157: {  	s21 =	sor.u32 $0x100, s17;
	[tilespmem:s23+$0x0] =	vst.add.f32.msk $0xffff, v3  }
0x158: {  	s10 =	sor.u32 s20, s0;
	s4 =	sor.u32 s26, s0;
	s26 =	sor.u32 $0x100, s22;
	[tilespmem:s21+$0x0] =	vst.add.f32.msk $0xffff, v2  }
0x159: {  	s2 =	sor.u32 $0x180, s17;
	s29 =	sor.u32 $0x180, s22;
	s28 =	sor.u32 $0x80, s10;
	[tilespmem:s26+$0x0] =	vst.add.f32.msk $0xffff, v3  }
0x15a: {  	s16 =	sor.u32 $0x100, s10;
	s17 =	simm.s32 $0x0;
	s23 =	sor.u32 $0x180, s10;
	[tilespmem:s2+$0x0] =	vst.add.f32.msk $0xffff, v2  }
0x15b: {  	s19 =	sor.u32 $0x80, s4;
	s0 =	sor.u32 $0x100, s4;
	s2 =	sor.u32 $0x180, s4;
	[tilespmem:s29+$0x0] =	vst.add.f32.msk $0xffff, v3  }
.LBB2_13:
0x15c: {  	s17 =	sadd.s32 $0x4, s17;
	[tilespmem:s4+$0x0] =	vst.add.f32.msk $0xffff, v1  }
0x15d: {  	s11 =	sadd.s32 $0x40, s11;
	s4 =	sshrl.u32 s17, $0x3;
	[tilespmem:s19+$0x0] =	vst.add.f32.msk $0xffff, v1  }
0x15e: {  	s19 =	sshll.u32 s17, $0x1;
	p1 =	slt.u32 s17, $0x7C;
	s4 =	sand.u32 $0x7, s4;
	[tilespmem:s0+$0x0] =	vst.add.f32.msk $0xffff, v1  }
0x15f: {  	s19 =	sand.u32 $0x3FFFFF80, s19;
	s0 =	sshll.u32 s4, $0x8;
	[tilespmem:s2+$0x0] =	vst.add.f32.msk $0xffff, v1;
	s2 =	sand.u32 $0x40, s11  }
0x160: {  	s4 =	sshll.u32 s4, $0x9;
	s0 =	sadd.s32 s19, s0;
	[tilespmem:s10+$0x0] =	vst.add.f32.msk $0xffff, v0;
	s10 =	sor.u32 $0x10, s2  }
0x161: {  	s19 =	sor.u32 $0x30, s2;
	s21 =	sor.u32 $0x20, s2;
	s0 =	sadd.s32 $0x12800, s0;
	[tilespmem:s28+$0x0] =	vst.add.f32.msk $0xffff, v0  }
0x162: {  	s20 =	sor.u32 s2, s0;
	s22 =	sor.u32 s19, s0;
	[tilespmem:s16+$0x0] =	vst.add.f32.msk $0xffff, v0;
	s16 =	sshll.u32 s17, $0x6  }
0x163: {  	s26 =	sor.u32 s10, s0;
	s0 =	sor.u32 s21, s0;
	v2 =	vld [tilespmem:s22+$0x0];
	s16 =	sand.u32 $0x3FFFF000, s16  }
0x164: {  	v3 =	vld [tilespmem:s20+$0x0];
	s4 =	sor.u32 s4, s16  }
0x165: {  	v1 =	vld [tilespmem:s26+$0x0];
	s16 =	sadd.s32 $0xA000, s4  }
0x166: {  	v4 =	vld [tilespmem:s0+$0x0];
	s20 =	sor.u32 s2, s16  }
0x167: {  	s4 =	sor.u32 s10, s16;
	s2 =	sor.u32 s19, s16;
	s10 =	sor.u32 s21, s16;
	[tilespmem:s23+$0x0] =	vst.add.f32.msk $0xffff, v0  }
0x168: {  	s22 =	sor.u32 $0x80, s20;
	s0 =	sor.u32 $0x80, s2;
	s21 =	sor.u32 $0x100, s20;
	[tilespmem:s2+$0x0] =	vst.add.f32.msk $0xffff, v2  }
0x169: {  	s26 =	sor.u32 $0x180, s20;
	s16 =	sor.u32 $0x100, s2;
	s19 =	sor.u32 $0x80, s4;
	[tilespmem:s0+$0x0] =	vst.add.f32.msk $0xffff, v2  }
0x16a: {  	s23 =	sor.u32 $0x180, s2;
	s28 =	sor.u32 $0x80, s10;
	s0 =	sor.u32 $0x100, s4;
	[tilespmem:s16+$0x0] =	vst.add.f32.msk $0xffff, v2  }
.Ltmp5:
0x16b: {  	s2 =	sor.u32 $0x180, s4;
	s16 =	sor.u32 $0x100, s10;
	[tilespmem:s23+$0x0] =	vst.add.f32.msk $0xffff, v2;
	(pc) =	sbr.rel @p1 .LBB2_13-.Ltmp5, $4  }
0x16c: {  	s23 =	sor.u32 $0x180, s10;
	v0 =	vmov v4;
	[tilespmem:s20+$0x0] =	vst.add.f32.msk $0xffff, v3  }
0x16d: {  	[tilespmem:s22+$0x0] =	vst.add.f32.msk $0xffff, v3  }
0x16e: {  	[tilespmem:s21+$0x0] =	vst.add.f32.msk $0xffff, v3  }
0x16f: {  	[tilespmem:s26+$0x0] =	vst.add.f32.msk $0xffff, v3  }
0x170: {  	[tilespmem:s4+$0x0] =	vst.add.f32.msk $0xffff, v1  }
0x171: {  	[tilespmem:s10+$0x0] =	vst.add.f32.msk $0xffff, v0  }
0x172: {  	[tilespmem:s19+$0x0] =	vst.add.f32.msk $0xffff, v1  }
0x173: {  	[tilespmem:s28+$0x0] =	vst.add.f32.msk $0xffff, v0  }
0x174: {  	[tilespmem:s0+$0x0] =	vst.add.f32.msk $0xffff, v1  }
0x175: {  	[tilespmem:s16+$0x0] =	vst.add.f32.msk $0xffff, v0  }
0x176: {  	s26 =	sshll.u32 s31, $0xA;
	[tilespmem:s2+$0x0] =	vst.add.f32.msk $0xffff, v1  }
0x177: {  	s29 =	simm.s32 $0xA000;
	s31 =	simm.s32 $0x13;
	s0 =	sadd.s32 s26, s18;
	[tilespmem:s23+$0x0] =	vst.add.f32.msk $0xffff, v0  }
0x178: {  	[hbm4b:s0+s5] =	stream.linear.scatter [tilespmem:s29], [sflag:$0x16], $0x2000, $0x38;
	[tilespmem:$0x14000] =	vst v63  }
0x179: {  	_ =	swait.ge [sflag:s31], $0x2000  }
0x17a: {  	s0 =	rddreg [dreg:$0xe]  }
0x17b: {  	s4 =	simm.s32 @!p0 $0x0;
	s10 =	simm.s32 @!p0 $0x4000;
	s0 =	sadd.s32 @!p0 s7, s0  }
0x17c: {  	[sflag:s31] =	ssyncset.done $0x0;
	s2 =	sshll.u32 @!p0 s0, $0x9;
	s0 =	sshll.u32 @!p0 s0, $0x7  }
0x17d: {  	[sflag:s31] =	ssyncadd.s32 $0xFFFFE000;
	s2 =	sadd.s32 @!p0 s1, s2;
	s0 =	sand.u32 @!p0 $0x1FF800, s0  }
0x17e: {  	[tilespmem:s10], [sflag:$0x3] =	stream.linear.gather @!p0 [hbm4b:s2+s4], $0x2000, $0x38;
	[tilespmem:$0x14000] =	vst v63  }
0x17f: {  	s0 =	sadd.s32 @!p0 s0, s13  }
0x180: {  	s2 =	simm.s32 @!p0 $0x100;
	s4 =	simm.s32 @!p0 $0x400;
	s10 =	simm.s32 @!p0 $0x11000  }
0x181: {  	[tilespmem:s10], [sflag:$0xB] =	stream.strided.gather @!p0 [hbm4b:s0+s2], $0x800, s4, s2, $0x38;
	[tilespmem:$0x14000] =	vst v63  }
0x182: {  	s0 =	simm.s32 $0x7  }
0x183: {  	_ =	swait.ge [sflag:s0], $0x2000  }
0x184: {  	s11 =	simm.s32 $0x0;
	s4 =	simm.s32 $0x0;
	[sflag:s0] =	ssyncset.done $0x0  }
0x185: {  	s10 =	simm.s32 $0x0;
	[sflag:s0] =	ssyncadd.s32 $0xFFFFE000;
	s0 =	sand.u32 $0x7, s4  }
0x186: {  	s17 =	simm.s32 $0xF;
	s2 =	sand.u32 $0x3FFFFF80, s10;
	s16 =	sshll.u32 s0, $0x8  }
0x187: {  	s19 =	sand.u32 $0x40, s11;
	_ =	swait.ge [sflag:s17], $0x800;
	s2 =	sadd.s32 s2, s16  }
0x188: {  	s23 =	sor.u32 $0x30, s19;
	[sflag:s17] =	ssyncset.done $0x0;
	s2 =	sadd.s32 $0x13000, s2  }
0x189: {  	[sflag:s17] =	ssyncadd.s32 $0xFFFFF800;
	s26 =	sor.u32 s23, s2  }
0x18a: {  	s17 =	simm.s32 $0x0;
	s31 =	sor.u32 s19, s2;
	v2 =	vld [tilespmem:s26+$0x0]  }
0x18b: {  	s29 =	sor.u32 $0x10, s19;
	s0 =	sshll.u32 s0, $0x9;
	s17 =	sand.u32 $0x3FFFF000, s17;
	v3 =	vld [tilespmem:s31+$0x0]  }
0x18c: {  	s20 =	sor.u32 $0x20, s19;
	s21 =	sor.u32 s29, s2;
	s0 =	sor.u32 s0, s17  }
0x18d: {  	s2 =	sor.u32 s20, s2;
	v1 =	vld [tilespmem:s21+$0x0];
	s0 =	sadd.s32 $0xC000, s0  }
0x18e: {  	v0 =	vld [tilespmem:s2+$0x0];
	s21 =	sor.u32 s23, s0  }
0x18f: {  	s23 =	sor.u32 s19, s0;
	[tilespmem:s21+$0x0] =	vst.add.f32.msk $0xffff, v2  }
0x190: {  	s4 =	sor.u32 $0x80, s21;
	[tilespmem:s23+$0x0] =	vst.add.f32.msk $0xffff, v3  }
0x191: {  	s26 =	sor.u32 $0x80, s23;
	[tilespmem:s4+$0x0] =	vst.add.f32.msk $0xffff, v2  }
0x192: {  	s22 =	sor.u32 $0x100, s21;
	[tilespmem:s26+$0x0] =	vst.add.f32.msk $0xffff, v3  }
0x193: {  	s17 =	simm.s32 $0x0;
	s4 =	sor.u32 s29, s0;
	s29 =	sor.u32 $0x100, s23;
	[tilespmem:s22+$0x0] =	vst.add.f32.msk $0xffff, v2  }
0x194: {  	s10 =	sor.u32 s20, s0;
	s2 =	sor.u32 $0x180, s21;
	s31 =	sor.u32 $0x180, s23;
	[tilespmem:s29+$0x0] =	vst.add.f32.msk $0xffff, v3  }
0x195: {  	s28 =	sor.u32 $0x80, s10;
	s16 =	sor.u32 $0x100, s10;
	s23 =	sor.u32 $0x180, s10;
	[tilespmem:s2+$0x0] =	vst.add.f32.msk $0xffff, v2  }
0x196: {  	s19 =	sor.u32 $0x80, s4;
	s0 =	sor.u32 $0x100, s4;
	s2 =	sor.u32 $0x180, s4;
	[tilespmem:s31+$0x0] =	vst.add.f32.msk $0xffff, v3  }
.LBB2_15:
0x197: {  	s17 =	sadd.s32 $0x4, s17;
	[tilespmem:s4+$0x0] =	vst.add.f32.msk $0xffff, v1  }
0x198: {  	s11 =	sadd.s32 $0x40, s11;
	s4 =	sshrl.u32 s17, $0x3;
	[tilespmem:s19+$0x0] =	vst.add.f32.msk $0xffff, v1  }
0x199: {  	s19 =	sshll.u32 s17, $0x1;
	p1 =	slt.u32 s17, $0x7C;
	s4 =	sand.u32 $0x7, s4;
	[tilespmem:s0+$0x0] =	vst.add.f32.msk $0xffff, v1  }
0x19a: {  	s19 =	sand.u32 $0x3FFFFF80, s19;
	s0 =	sshll.u32 s4, $0x8;
	[tilespmem:s2+$0x0] =	vst.add.f32.msk $0xffff, v1;
	s2 =	sand.u32 $0x40, s11  }
0x19b: {  	s4 =	sshll.u32 s4, $0x9;
	s0 =	sadd.s32 s19, s0;
	[tilespmem:s10+$0x0] =	vst.add.f32.msk $0xffff, v0;
	s10 =	sor.u32 $0x10, s2  }
0x19c: {  	s19 =	sor.u32 $0x30, s2;
	s21 =	sor.u32 $0x20, s2;
	s0 =	sadd.s32 $0x13000, s0;
	[tilespmem:s28+$0x0] =	vst.add.f32.msk $0xffff, v0  }
0x19d: {  	s20 =	sor.u32 s2, s0;
	s22 =	sor.u32 s19, s0;
	[tilespmem:s16+$0x0] =	vst.add.f32.msk $0xffff, v0;
	s16 =	sshll.u32 s17, $0x6  }
0x19e: {  	s26 =	sor.u32 s10, s0;
	s0 =	sor.u32 s21, s0;
	v2 =	vld [tilespmem:s22+$0x0];
	s16 =	sand.u32 $0x3FFFF000, s16  }
0x19f: {  	v3 =	vld [tilespmem:s20+$0x0];
	s4 =	sor.u32 s4, s16  }
0x1a0: {  	v1 =	vld [tilespmem:s26+$0x0];
	s16 =	sadd.s32 $0xC000, s4  }
0x1a1: {  	v4 =	vld [tilespmem:s0+$0x0];
	s20 =	sor.u32 s2, s16  }
0x1a2: {  	s4 =	sor.u32 s10, s16;
	s2 =	sor.u32 s19, s16;
	s10 =	sor.u32 s21, s16;
	[tilespmem:s23+$0x0] =	vst.add.f32.msk $0xffff, v0  }
0x1a3: {  	s22 =	sor.u32 $0x80, s20;
	s0 =	sor.u32 $0x80, s2;
	s21 =	sor.u32 $0x100, s20;
	[tilespmem:s2+$0x0] =	vst.add.f32.msk $0xffff, v2  }
0x1a4: {  	s26 =	sor.u32 $0x180, s20;
	s16 =	sor.u32 $0x100, s2;
	s19 =	sor.u32 $0x80, s4;
	[tilespmem:s0+$0x0] =	vst.add.f32.msk $0xffff, v2  }
0x1a5: {  	s23 =	sor.u32 $0x180, s2;
	s28 =	sor.u32 $0x80, s10;
	s0 =	sor.u32 $0x100, s4;
	[tilespmem:s16+$0x0] =	vst.add.f32.msk $0xffff, v2  }
.Ltmp6:
0x1a6: {  	s2 =	sor.u32 $0x180, s4;
	s16 =	sor.u32 $0x100, s10;
	[tilespmem:s23+$0x0] =	vst.add.f32.msk $0xffff, v2;
	(pc) =	sbr.rel @p1 .LBB2_15-.Ltmp6, $4  }
0x1a7: {  	s23 =	sor.u32 $0x180, s10;
	v0 =	vmov v4;
	[tilespmem:s20+$0x0] =	vst.add.f32.msk $0xffff, v3  }
0x1a8: {  	[tilespmem:s22+$0x0] =	vst.add.f32.msk $0xffff, v3  }
0x1a9: {  	[tilespmem:s21+$0x0] =	vst.add.f32.msk $0xffff, v3  }
0x1aa: {  	[tilespmem:s26+$0x0] =	vst.add.f32.msk $0xffff, v3  }
0x1ab: {  	[tilespmem:s4+$0x0] =	vst.add.f32.msk $0xffff, v1  }
0x1ac: {  	[tilespmem:s10+$0x0] =	vst.add.f32.msk $0xffff, v0  }
0x1ad: {  	[tilespmem:s19+$0x0] =	vst.add.f32.msk $0xffff, v1  }
0x1ae: {  	[tilespmem:s28+$0x0] =	vst.add.f32.msk $0xffff, v0  }
0x1af: {  	[tilespmem:s0+$0x0] =	vst.add.f32.msk $0xffff, v1  }
0x1b0: {  	[tilespmem:s16+$0x0] =	vst.add.f32.msk $0xffff, v0  }
0x1b1: {  	s26 =	sshll.u32 s12, $0xA;
	[tilespmem:s2+$0x0] =	vst.add.f32.msk $0xffff, v1  }
0x1b2: {  	s28 =	simm.s32 $0x14;
	s0 =	sadd.s32 s26, s18;
	s26 =	simm.s32 $0xC000;
	[tilespmem:s23+$0x0] =	vst.add.f32.msk $0xffff, v0  }
0x1b3: {  	[hbm4b:s0+s5] =	stream.linear.scatter [tilespmem:s26], [sflag:$0x17], $0x2000, $0x38;
	[tilespmem:$0x14000] =	vst v63  }
0x1b4: {  	_ =	swait.ge [sflag:s28], $0x2000  }
0x1b5: {  	s0 =	rddreg [dreg:$0xf]  }
0x1b6: {  	s4 =	simm.s32 @!p0 $0x0;
	[sflag:s28] =	ssyncset.done $0x0;
	s0 =	sadd.s32 @!p0 s7, s0  }
0x1b7: {  	[sflag:s28] =	ssyncadd.s32 $0xFFFFE000;
	s2 =	sshll.u32 @!p0 s0, $0x9;
	s0 =	sshll.u32 @!p0 s0, $0x7  }
0x1b8: {  	s7 =	simm.s32 @!p0 $0x6000;
	s2 =	sadd.s32 @!p0 s1, s2;
	s0 =	sand.u32 @!p0 $0x1FF800, s0  }
0x1b9: {  	[tilespmem:s7], [sflag:$0x4] =	stream.linear.gather @!p0 [hbm4b:s2+s4], $0x2000, $0x38;
	[tilespmem:$0x14000] =	vst v63  }
0x1ba: {  	s29 =	simm.s32 $0x8;
	s31 =	simm.s32 $0x0;
	s0 =	sadd.s32 @!p0 s0, s14  }
0x1bb: {  	s2 =	simm.s32 @!p0 $0x100;
	s4 =	simm.s32 @!p0 $0x400;
	s7 =	simm.s32 @!p0 $0x11800  }
0x1bc: {  	[tilespmem:s7], [sflag:$0xC] =	stream.strided.gather @!p0 [hbm4b:s0+s2], $0x800, s4, s2, $0x38;
	[tilespmem:$0x14000] =	vst v63  }
0x1bd: {  	s11 =	simm.s32 $0x10;
	s0 =	sand.u32 $0x7, s31;
	_ =	swait.ge [sflag:s29], $0x2000  }
0x1be: {  	s4 =	simm.s32 $0x0;
	s7 =	simm.s32 $0x0;
	[sflag:s29] =	ssyncset.done $0x0  }
0x1bf: {  	s10 =	sshll.u32 s0, $0x8;
	s2 =	sand.u32 $0x3FFFFF80, s4;
	[sflag:s29] =	ssyncadd.s32 $0xFFFFE000  }
0x1c0: {  	s12 =	sand.u32 $0x40, s7;
	s2 =	sadd.s32 s2, s10;
	_ =	swait.ge [sflag:s11], $0x800  }
0x1c1: {  	s28 =	sor.u32 $0x30, s12;
	s2 =	sadd.s32 $0x13800, s2;
	[sflag:s11] =	ssyncset.done $0x0  }
0x1c2: {  	s29 =	sor.u32 s28, s2;
	[sflag:s11] =	ssyncadd.s32 $0xFFFFF800  }
0x1c3: {  	s19 =	simm.s32 $0x0;
	s20 =	sor.u32 s12, s2;
	v2 =	vld [tilespmem:s29+$0x0]  }
0x1c4: {  	s16 =	sand.u32 $0x3FFFF000, s19;
	s0 =	sshll.u32 s0, $0x9;
	s31 =	sor.u32 $0x10, s12;
	v3 =	vld [tilespmem:s20+$0x0]  }
0x1c5: {  	s17 =	sor.u32 $0x20, s12;
	s0 =	sor.u32 s0, s16;
	s21 =	sor.u32 s31, s2  }
0x1c6: {  	s0 =	sadd.s32 $0xE000, s0;
	s2 =	sor.u32 s17, s2;
	v1 =	vld [tilespmem:s21+$0x0]  }
0x1c7: {  	s22 =	sor.u32 s28, s0;
	v0 =	vld [tilespmem:s2+$0x0]  }
0x1c8: {  	s28 =	sor.u32 s12, s0;
	[tilespmem:s22+$0x0] =	vst.add.f32.msk $0xffff, v2  }
0x1c9: {  	s4 =	sor.u32 $0x80, s22;
	[tilespmem:s28+$0x0] =	vst.add.f32.msk $0xffff, v3  }
0x1ca: {  	s29 =	sor.u32 $0x80, s28;
	[tilespmem:s4+$0x0] =	vst.add.f32.msk $0xffff, v2  }
0x1cb: {  	s23 =	sor.u32 $0x100, s22;
	[tilespmem:s29+$0x0] =	vst.add.f32.msk $0xffff, v3  }
0x1cc: {  	s10 =	sor.u32 s17, s0;
	s4 =	sor.u32 s31, s0;
	s31 =	sor.u32 $0x100, s28;
	[tilespmem:s23+$0x0] =	vst.add.f32.msk $0xffff, v2  }
0x1cd: {  	s17 =	sor.u32 $0x80, s10;
	s16 =	sor.u32 $0x100, s10;
	s2 =	sor.u32 $0x180, s22;
	[tilespmem:s31+$0x0] =	vst.add.f32.msk $0xffff, v3  }
0x1ce: {  	s12 =	sor.u32 $0x180, s10;
	s11 =	simm.s32 $0x0;
	s20 =	sor.u32 $0x180, s28;
	[tilespmem:s2+$0x0] =	vst.add.f32.msk $0xffff, v2  }
0x1cf: {  	s19 =	sor.u32 $0x80, s4;
	s0 =	sor.u32 $0x100, s4;
	s2 =	sor.u32 $0x180, s4;
	[tilespmem:s20+$0x0] =	vst.add.f32.msk $0xffff, v3  }
.LBB2_17:
0x1d0: {  	s11 =	sadd.s32 $0x4, s11;
	[tilespmem:s4+$0x0] =	vst.add.f32.msk $0xffff, v1  }
0x1d1: {  	s7 =	sadd.s32 $0x40, s7;
	s4 =	sshrl.u32 s11, $0x3;
	[tilespmem:s19+$0x0] =	vst.add.f32.msk $0xffff, v1  }
0x1d2: {  	s19 =	sshll.u32 s11, $0x1;
	p0 =	slt.u32 s11, $0x7C;
	s4 =	sand.u32 $0x7, s4;
	[tilespmem:s0+$0x0] =	vst.add.f32.msk $0xffff, v1  }
0x1d3: {  	s19 =	sand.u32 $0x3FFFFF80, s19;
	s0 =	sshll.u32 s4, $0x8;
	[tilespmem:s2+$0x0] =	vst.add.f32.msk $0xffff, v1;
	s2 =	sand.u32 $0x40, s7  }
0x1d4: {  	s4 =	sshll.u32 s4, $0x9;
	s0 =	sadd.s32 s19, s0;
	[tilespmem:s10+$0x0] =	vst.add.f32.msk $0xffff, v0;
	s10 =	sor.u32 $0x10, s2  }
0x1d5: {  	s19 =	sor.u32 $0x30, s2;
	s20 =	sor.u32 $0x20, s2;
	s0 =	sadd.s32 $0x13800, s0;
	[tilespmem:s17+$0x0] =	vst.add.f32.msk $0xffff, v0  }
0x1d6: {  	s17 =	sor.u32 s2, s0;
	s21 =	sor.u32 s19, s0;
	[tilespmem:s16+$0x0] =	vst.add.f32.msk $0xffff, v0;
	s16 =	sshll.u32 s11, $0x6  }
0x1d7: {  	s22 =	sor.u32 s10, s0;
	s0 =	sor.u32 s20, s0;
	v2 =	vld [tilespmem:s21+$0x0];
	s16 =	sand.u32 $0x3FFFF000, s16  }
0x1d8: {  	v3 =	vld [tilespmem:s17+$0x0];
	s4 =	sor.u32 s4, s16  }
0x1d9: {  	v1 =	vld [tilespmem:s22+$0x0];
	s16 =	sadd.s32 $0xE000, s4  }
0x1da: {  	v4 =	vld [tilespmem:s0+$0x0];
	s21 =	sor.u32 s2, s16  }
0x1db: {  	s4 =	sor.u32 s10, s16;
	s2 =	sor.u32 s19, s16;
	s10 =	sor.u32 s20, s16;
	[tilespmem:s12+$0x0] =	vst.add.f32.msk $0xffff, v0  }
0x1dc: {  	s22 =	sor.u32 $0x80, s21;
	s0 =	sor.u32 $0x80, s2;
	s20 =	sor.u32 $0x100, s21;
	[tilespmem:s2+$0x0] =	vst.add.f32.msk $0xffff, v2  }
0x1dd: {  	s23 =	sor.u32 $0x180, s21;
	s12 =	sor.u32 $0x100, s2;
	s19 =	sor.u32 $0x80, s4;
	[tilespmem:s0+$0x0] =	vst.add.f32.msk $0xffff, v2  }
0x1de: {  	s17 =	sor.u32 $0x80, s10;
	s0 =	sor.u32 $0x100, s4;
	[tilespmem:s12+$0x0] =	vst.add.f32.msk $0xffff, v2;
	s12 =	sor.u32 $0x180, s2  }
.Ltmp7:
0x1df: {  	s16 =	sor.u32 $0x100, s10;
	s2 =	sor.u32 $0x180, s4;
	[tilespmem:s12+$0x0] =	vst.add.f32.msk $0xffff, v2;
	(pc) =	sbr.rel @p0 .LBB2_17-.Ltmp7, $4  }
0x1e0: {  	s12 =	sor.u32 $0x180, s10;
	v0 =	vmov v4;
	[tilespmem:s21+$0x0] =	vst.add.f32.msk $0xffff, v3  }
0x1e1: {  	[tilespmem:s22+$0x0] =	vst.add.f32.msk $0xffff, v3  }
0x1e2: {  	[tilespmem:s20+$0x0] =	vst.add.f32.msk $0xffff, v3  }
0x1e3: {  	[tilespmem:s23+$0x0] =	vst.add.f32.msk $0xffff, v3  }
0x1e4: {  	[tilespmem:s4+$0x0] =	vst.add.f32.msk $0xffff, v1  }
0x1e5: {  	[tilespmem:s10+$0x0] =	vst.add.f32.msk $0xffff, v0  }
0x1e6: {  	s15 =	sadd.s32 $0x1, s15;
	[tilespmem:s19+$0x0] =	vst.add.f32.msk $0xffff, v1  }
0x1e7: {  	[tilespmem:s17+$0x0] =	vst.add.f32.msk $0xffff, v0;
	p0 =	sne.s32 s15, $0x10  }
.Ltmp8:
0x1e8: {  	[tilespmem:s0+$0x0] =	vst.add.f32.msk $0xffff, v1;
	(pc) =	sbr.rel @p0 .LBB2_2-.Ltmp8, $4  }
0x1e9: {  	[tilespmem:s16+$0x0] =	vst.add.f32.msk $0xffff, v0  }
0x1ea: {  	s29 =	sshll.u32 s3, $0xA;
	[tilespmem:s2+$0x0] =	vst.add.f32.msk $0xffff, v1  }
0x1eb: {  	s31 =	simm.s32 $0xE000;
	s0 =	sadd.s32 s29, s18;
	[tilespmem:s12+$0x0] =	vst.add.f32.msk $0xffff, v0  }
0x1ec: {  	[hbm4b:s0+s5] =	stream.linear.scatter [tilespmem:s31], [sflag:$0x18], $0x2000, $0x38;
	[tilespmem:$0x14000] =	vst v63  }
0x1ed: {  	s0 =	simm.s32 $0x15  }
0x1ee: {  	_ =	swait.ge [sflag:s0], $0x2000  }
0x1ef: {  	[sflag:s0] =	ssyncset.done $0x0  }
0x1f0: {  	s28 =	simm.s32 $0x16;
	[sflag:s0] =	ssyncadd.s32 $0xFFFFE000  }
0x1f1: {  	_ =	swait.ge [sflag:s28], $0x2000  }
0x1f2: {  	[sflag:s28] =	ssyncset.done $0x0  }
0x1f3: {  	s29 =	simm.s32 $0x17;
	[sflag:s28] =	ssyncadd.s32 $0xFFFFE000  }
0x1f4: {  	_ =	swait.ge [sflag:s29], $0x2000  }
0x1f5: {  	[sflag:s29] =	ssyncset.done $0x0  }
0x1f6: {  	s2 =	simm.s32 $0x18;
	[sflag:s29] =	ssyncadd.s32 $0xFFFFE000  }
0x1f7: {  	_ =	swait.ge [sflag:s2], $0x2000  }
0x1f8: {  	s3 =	rddreg [dreg:$0x11]  }
0x1f9: {  	s31 =	rddreg [dreg:$0x10];
	s3 =	sadd.s32 $0x1, s3  }
0x1fa: {  	p0 =	sne.s32 s3, s31  }
.Ltmp9:
0x1fb: {  	_ = 	snop;
	(pc) =	sbr.rel @p0 .LBB2_1-.Ltmp9, $3  }
0x1fc: {  	_ =	sdelay $0x1  }
0x1fd: {  	[sflag:s2] =	ssyncset.done $0x0  }
0x1fe: {  	[sflag:s2] =	ssyncadd.s32 $0xFFFFE000  }
0x1ff: {  	_ =	sfence.sel $0x180000  }
0x200: {  	[bflag:$0x0] =	sbarrier.arrive $0xFFFF  }
0x201: {  	_ =	strace $0x90000047  }
0x202: {  	s0 =	stileid.u32;
	[bflag:$0x2] =	sbarrier.arrive $0xFFFF  }
0x203: {  	p0 =	sne.s32 s0, $0x0;
	s0 =	rddreg [dreg:$0x3]  }
0x204: {  	s0 =	sadd.s32 @!p0 $0x100000, s0  }
0x205: {  	[sflag:s0] =	ssyncadd.tile.s32 @!p0 $0x1;
	_ =	shalt  }
.Lfunc_end2:
_tile_overlayer_lowered:
.L_overlay_start_2:
0x206: {  	(tag) =	ssettag $0x2  }
0x207: {  	s0 =	rddreg [dreg:$0x0];
	s2 =	stileid.u32  }
0x208: {  	s1 =	rddreg [dreg:$0x1];
	p0 =	sne.s32 s2, $0x0  }
0x209: {  	s3 =	rddreg [dreg:$0x2];
	[bflag:$0x3] =	sbarrier.arrive $0xFFFF;
	s2 =	simm.s32 @!p0 $0x1C19  }
0x20a: {  	[timem:s3], [sflag:s2] =	dma.local @!p0 [hbm:s0], s1  }
0x20b: {  	s0 =	simm.s32 @!p0 $0x19  }
0x20c: {  	_ =	swait.ge @!p0 [sflag:s0], s1  }
0x20d: {  	s1 =	ssub.s32 @!p0 $0x0, s1;
	[sflag:s0] =	ssyncset.done @!p0 $0x0  }
0x20e: {  	[sflag:s0] =	ssyncadd.s32 @!p0 s1  }
0x20f: {  	[bflag:$0x3] =	sbarrier.arrive $0xFFFF  }
0x210: {  	_ =	shalt  }

</sc_bundles>
